<compile_context>
chip_gen: v7x
topology: tpu7x:2x2x1
jax: 0.10.2.dev20260603
libtpu: 0.0.44.dev20260713+nightly
codegen_flags: <defaults>
</compile_context>

<pallas_src>
import functools

import jax
import jax.numpy as jnp
from jax import lax
from jax.experimental import pallas as pl
from jax.experimental.pallas import tpu as pltpu
from jax.experimental.pallas import tpu_sc as plsc

BATCH = 16384
EMBED_DIM = 32
NUM_CORES = 2
NUM_SUBCORES = 16
NUM_WORKERS = NUM_CORES * NUM_SUBCORES
BPW = BATCH // NUM_WORKERS
CHUNK = 128
NCHUNK = BPW // CHUNK
LANES = 16
NGROUP = BPW // LANES


def _mf_body(uidx_hbm, iidx_hbm, uemb_hbm, iemb_hbm, ulin_hbm, ilin_hbm,
             out_hbm, uidx_v, iidx_v, urows_v, irows_v, ubias_v, ibias_v,
             out_v, sem):
  wid = lax.axis_index("s") * NUM_CORES + lax.axis_index("c")

  pltpu.sync_copy(uidx_hbm.at[wid], uidx_v)
  pltpu.sync_copy(iidx_hbm.at[wid], iidx_v)

  copies = []
  for c in range(NCHUNK):
    rows = pl.ds(c * CHUNK, CHUNK)
    copies.append(pltpu.async_copy(uemb_hbm.at[uidx_v.at[c]],
                                   urows_v.at[rows, :], sem))
    copies.append(pltpu.async_copy(iemb_hbm.at[iidx_v.at[c]],
                                   irows_v.at[rows, :], sem))
    copies.append(pltpu.async_copy(ulin_hbm.at[uidx_v.at[c]],
                                   ubias_v.at[rows], sem))
    copies.append(pltpu.async_copy(ilin_hbm.at[iidx_v.at[c]],
                                   ibias_v.at[rows], sem))
  for cp in copies:
    cp.wait()

  iota16 = lax.iota(jnp.int32, 16)

  def group(g, carry):
    rvec = g * LANES + iota16
    acc = jnp.zeros((LANES,), jnp.float32)
    for d in range(EMBED_DIM):
      cvec = jnp.full((LANES,), d, jnp.int32)
      u = plsc.load_gather(urows_v, [rvec, cvec])
      it = plsc.load_gather(irows_v, [rvec, cvec])
      acc = acc + u * it
    bu = ubias_v[pl.ds(g * LANES, LANES)]
    bi = ibias_v[pl.ds(g * LANES, LANES)]
    x = acc + bu + bi
    out_v[pl.ds(g * LANES, LANES)] = 1.0 / (1.0 + jnp.exp(-x))
    return carry

  lax.fori_loop(0, NGROUP, group, 0)

  pltpu.sync_copy(out_v, out_hbm.at[pl.ds(wid * BPW, BPW)])


@jax.jit
def _mf_call(uidx, iidx, user_embed, item_embed, user_lin, item_lin):
  mesh = plsc.VectorSubcoreMesh(core_axis_name="c", subcore_axis_name="s")
  fn = pl.kernel(
      _mf_body,
      out_type=jax.ShapeDtypeStruct((BATCH,), jnp.float32),
      mesh=mesh,
      scratch_types=[
          pltpu.VMEM((NCHUNK, CHUNK), jnp.int32),
          pltpu.VMEM((NCHUNK, CHUNK), jnp.int32),
          pltpu.VMEM((BPW, EMBED_DIM), jnp.float32),
          pltpu.VMEM((BPW, EMBED_DIM), jnp.float32),
          pltpu.VMEM((BPW,), jnp.float32),
          pltpu.VMEM((BPW,), jnp.float32),
          pltpu.VMEM((BPW,), jnp.float32),
          pltpu.SemaphoreType.DMA,
      ],
      compiler_params=pltpu.CompilerParams(needs_layout_passes=False,
                                           use_tc_tiling_on_sc=False),
  )
  return fn(uidx, iidx, user_embed, item_embed, user_lin, item_lin)


def kernel(user_tensor, item_tensor, user_embed, item_embed, user_lin,
           item_lin):
  uidx = user_tensor.astype(jnp.int32).reshape(NUM_WORKERS, NCHUNK, CHUNK)
  iidx = item_tensor.astype(jnp.int32).reshape(NUM_WORKERS, NCHUNK, CHUNK)
  return _mf_call(uidx, iidx, user_embed, item_embed,
                  user_lin.reshape(-1), item_lin.reshape(-1))

# --- scband reference (transcript-rebuilt; emitter-appended) ---
"""Pipeline reference for scband-mf-50946902065641 (READ-ONLY COPY).

The authoritative reference and input builder live on the scoring server;
editing this copy changes nothing except your own understanding.
"""

import jax, jax.numpy as jnp
import numpy as np

USER_SIZE = 1000000
ITEM_SIZE = 1000000
EMBED_DIM = 32
BATCH = 16384

def setup_inputs(seed: int = 0) -> dict:
    key = jax.random.key(seed)
    k1, k2, k3, k4, k5, k6 = jax.random.split(key, 6)
    user_tensor = jax.random.randint(k1, (BATCH,), 0, USER_SIZE, dtype=jnp.int64 if jax.config.jax_enable_x64 else jnp.int32)
    item_tensor = jax.random.randint(k2, (BATCH,), 0, ITEM_SIZE, dtype=jnp.int64 if jax.config.jax_enable_x64 else jnp.int32)
    user_embed = jax.random.normal(k3, (USER_SIZE, EMBED_DIM), dtype=jnp.float32)
    item_embed = jax.random.normal(k4, (ITEM_SIZE, EMBED_DIM), dtype=jnp.float32)
    user_lin = jax.random.normal(k5, (USER_SIZE, 1), dtype=jnp.float32)
    item_lin = jax.random.normal(k6, (ITEM_SIZE, 1), dtype=jnp.float32)
    return {
        "user_tensor": user_tensor,
        "item_tensor": item_tensor,
        "user_embed": user_embed,
        "item_embed": item_embed,
        "user_lin": user_lin,
        "item_lin": item_lin,
    }

def reference(user_tensor, item_tensor, user_embed, item_embed, user_lin, item_lin):
    ue = jnp.take(user_embed, user_tensor, axis=0)          # [B, D]
    ie = jnp.take(item_embed, item_tensor, axis=0)          # [B, D]
    interaction = ue * ie                                    # [B, D]
    batch_size = interaction.shape[0]
    bias = jnp.take(user_lin, user_tensor, axis=0) + jnp.take(item_lin, item_tensor, axis=0)  # [B, 1]
    prob = jax.nn.sigmoid(jnp.sum(interaction, axis=1) + bias.reshape(batch_size))
    return prob

if __name__ == "__main__":
    import jax
    _d = setup_inputs()
    print(jax.jit(kernel)(*tuple(_d.values())))

</pallas_src>

<mosaic_0001>
#map = affine_map<(d0, d1) -> (0, 0, 0)>
#map1 = affine_map<(d0, d1) -> (0, 0)>
#map2 = affine_map<(d0, d1) -> (0)>
module attributes {stable_mosaic.version = 14 : i64} {
  func.func @_mf_body(%arg0: i32, %arg1: i32, %arg2: memref<32x4x128xi32, #tpu.memory_space<hbm>>, %arg3: memref<32x4x128xi32, #tpu.memory_space<hbm>>, %arg4: memref<1000000x32xf32, #tpu.memory_space<hbm>>, %arg5: memref<1000000x32xf32, #tpu.memory_space<hbm>>, %arg6: memref<1000000xf32, #tpu.memory_space<hbm>>, %arg7: memref<1000000xf32, #tpu.memory_space<hbm>>, %arg8: memref<16384xf32, #tpu.memory_space<hbm>>, %arg9: memref<4x128xi32, #tpu.memory_space<vmem>>, %arg10: memref<4x128xi32, #tpu.memory_space<vmem>>, %arg11: memref<512x32xf32, #tpu.memory_space<vmem>>, %arg12: memref<512x32xf32, #tpu.memory_space<vmem>>, %arg13: memref<512xf32, #tpu.memory_space<vmem>>, %arg14: memref<512xf32, #tpu.memory_space<vmem>>, %arg15: memref<512xf32, #tpu.memory_space<vmem>>, %arg16: memref<!tpu.dma_semaphore, #tpu.memory_space<semaphore_mem>>) attributes {dimension_semantics = [#tpu.dimension_semantics<core_parallel>, #tpu.dimension_semantics<subcore_parallel>], iteration_bounds = array<i64: 2, 16>, scalar_prefetch = 0 : i64, scratch_operands = 8 : i64, tpu.core_type = #tpu.core_type<sc_vector_subcore>, window_params = [{transform_indices = #map}, {transform_indices = #map}, {transform_indices = #map1}, {transform_indices = #map1}, {transform_indices = #map2}, {transform_indices = #map2}, {transform_indices = #map2}]} {
    %mul3A = arith.constant 2 : i32
    %mul3A_0 = arith.muli %arg1, %mul3A : i32
    %add3A = arith.addi %mul3A_0, %arg0 : i32
    "tpu.region"() ({
      %run_scoped3A = tpu.sem_alloc : memref<!tpu.dma_semaphore, #tpu.memory_space<semaphore_mem>>
      %dma_start3A_294 = arith.constant 0 : i32
      %dma_start3A_295 = arith.constant 0 : i32
      %dma_start3A_296 = tpu.memref_slice %arg2[%add3A, %dma_start3A_294, %dma_start3A_295] : memref<32x4x128xi32, #tpu.memory_space<hbm>> -> memref<1x4x128xi32, #tpu.memory_space<hbm>>
      %dma_start3A_297 = tpu.memref_squeeze %dma_start3A_296 : memref<1x4x128xi32, #tpu.memory_space<hbm>> -> memref<4x128xi32, #tpu.memory_space<hbm>>
      %dma_start3A_298 = arith.constant 0 : i32
      %dma_start3A_299 = arith.constant 0 : i32
      %dma_start3A_300 = tpu.memref_slice %arg2[%add3A, %dma_start3A_298, %dma_start3A_299] : memref<32x4x128xi32, #tpu.memory_space<hbm>> -> memref<1x4x128xi32, #tpu.memory_space<hbm>>
      %dma_start3A_301 = tpu.memref_squeeze %dma_start3A_300 : memref<1x4x128xi32, #tpu.memory_space<hbm>> -> memref<4x128xi32, #tpu.memory_space<hbm>>
      tpu.enqueue_dma source(%dma_start3A_301 : memref<4x128xi32, #tpu.memory_space<hbm>>) target(%arg9 : memref<4x128xi32, #tpu.memory_space<vmem>>) target_semaphore(%run_scoped3A : memref<!tpu.dma_semaphore, #tpu.memory_space<semaphore_mem>>)
      %dma_wait3A_302 = arith.constant 0 : i32
      %dma_wait3A_303 = arith.constant 0 : i32
      %dma_wait3A_304 = tpu.memref_slice %arg2[%add3A, %dma_wait3A_302, %dma_wait3A_303] : memref<32x4x128xi32, #tpu.memory_space<hbm>> -> memref<1x4x128xi32, #tpu.memory_space<hbm>>
      %dma_wait3A_305 = tpu.memref_squeeze %dma_wait3A_304 : memref<1x4x128xi32, #tpu.memory_space<hbm>> -> memref<4x128xi32, #tpu.memory_space<hbm>>
      %dma_wait3A_306 = arith.constant 0 : i32
      %dma_wait3A_307 = arith.constant 0 : i32
      %dma_wait3A_308 = tpu.memref_slice %arg2[%add3A, %dma_wait3A_306, %dma_wait3A_307] : memref<32x4x128xi32, #tpu.memory_space<hbm>> -> memref<1x4x128xi32, #tpu.memory_space<hbm>>
      %dma_wait3A_309 = tpu.memref_squeeze %dma_wait3A_308 : memref<1x4x128xi32, #tpu.memory_space<hbm>> -> memref<4x128xi32, #tpu.memory_space<hbm>>
      tpu.wait_dma2 semaphore(%run_scoped3A : memref<!tpu.dma_semaphore, #tpu.memory_space<semaphore_mem>>) src(%dma_wait3A_309 : memref<4x128xi32, #tpu.memory_space<hbm>>) dst(%arg9 : memref<4x128xi32, #tpu.memory_space<vmem>>)
      tpu.yield
    }) : () -> ()
    "tpu.region"() ({
      %run_scoped3A = tpu.sem_alloc : memref<!tpu.dma_semaphore, #tpu.memory_space<semaphore_mem>>
      %dma_start3A_294 = arith.constant 0 : i32
      %dma_start3A_295 = arith.constant 0 : i32
      %dma_start3A_296 = tpu.memref_slice %arg3[%add3A, %dma_start3A_294, %dma_start3A_295] : memref<32x4x128xi32, #tpu.memory_space<hbm>> -> memref<1x4x128xi32, #tpu.memory_space<hbm>>
      %dma_start3A_297 = tpu.memref_squeeze %dma_start3A_296 : memref<1x4x128xi32, #tpu.memory_space<hbm>> -> memref<4x128xi32, #tpu.memory_space<hbm>>
      %dma_start3A_298 = arith.constant 0 : i32
      %dma_start3A_299 = arith.constant 0 : i32
      %dma_start3A_300 = tpu.memref_slice %arg3[%add3A, %dma_start3A_298, %dma_start3A_299] : memref<32x4x128xi32, #tpu.memory_space<hbm>> -> memref<1x4x128xi32, #tpu.memory_space<hbm>>
      %dma_start3A_301 = tpu.memref_squeeze %dma_start3A_300 : memref<1x4x128xi32, #tpu.memory_space<hbm>> -> memref<4x128xi32, #tpu.memory_space<hbm>>
      tpu.enqueue_dma source(%dma_start3A_301 : memref<4x128xi32, #tpu.memory_space<hbm>>) target(%arg10 : memref<4x128xi32, #tpu.memory_space<vmem>>) target_semaphore(%run_scoped3A : memref<!tpu.dma_semaphore, #tpu.memory_space<semaphore_mem>>)
      %dma_wait3A_302 = arith.constant 0 : i32
      %dma_wait3A_303 = arith.constant 0 : i32
      %dma_wait3A_304 = tpu.memref_slice %arg3[%add3A, %dma_wait3A_302, %dma_wait3A_303] : memref<32x4x128xi32, #tpu.memory_space<hbm>> -> memref<1x4x128xi32, #tpu.memory_space<hbm>>
      %dma_wait3A_305 = tpu.memref_squeeze %dma_wait3A_304 : memref<1x4x128xi32, #tpu.memory_space<hbm>> -> memref<4x128xi32, #tpu.memory_space<hbm>>
      %dma_wait3A_306 = arith.constant 0 : i32
      %dma_wait3A_307 = arith.constant 0 : i32
      %dma_wait3A_308 = tpu.memref_slice %arg3[%add3A, %dma_wait3A_306, %dma_wait3A_307] : memref<32x4x128xi32, #tpu.memory_space<hbm>> -> memref<1x4x128xi32, #tpu.memory_space<hbm>>
      %dma_wait3A_309 = tpu.memref_squeeze %dma_wait3A_308 : memref<1x4x128xi32, #tpu.memory_space<hbm>> -> memref<4x128xi32, #tpu.memory_space<hbm>>
      tpu.wait_dma2 semaphore(%run_scoped3A : memref<!tpu.dma_semaphore, #tpu.memory_space<semaphore_mem>>) src(%dma_wait3A_309 : memref<4x128xi32, #tpu.memory_space<hbm>>) dst(%arg10 : memref<4x128xi32, #tpu.memory_space<vmem>>)
      tpu.yield
    }) : () -> ()
    %dma_start3A = arith.constant 0 : i32
    %dma_start3A_1 = arith.constant 0 : i32
    %dma_start3A_2 = arith.constant 0 : i32
    %dma_start3A_3 = tpu.memref_slice %arg11[%dma_start3A_1, %dma_start3A_2] : memref<512x32xf32, #tpu.memory_space<vmem>> -> memref<128x32xf32, #tpu.memory_space<vmem>>
    %dma_start3A_4 = arith.constant 0 : i32
    %dma_start3A_5 = tpu.memref_slice %arg9[%dma_start3A, %dma_start3A_4] : memref<4x128xi32, #tpu.memory_space<vmem>> -> memref<1x128xi32, #tpu.memory_space<vmem>>
    %dma_start3A_6 = tpu.memref_squeeze %dma_start3A_5 : memref<1x128xi32, #tpu.memory_space<vmem>> -> memref<128xi32, #tpu.memory_space<vmem>>
    %dma_start3A_7 = arith.constant 0 : i32
    %dma_start3A_8 = arith.constant 0 : i32
    %dma_start3A_9 = tpu.memref_slice %arg4[%dma_start3A_7, %dma_start3A_8] : memref<1000000x32xf32, #tpu.memory_space<hbm>> -> memref<1000000x32xf32, #tpu.memory_space<hbm>>
    tpu.enqueue_indirect_dma source(%dma_start3A_9 : memref<1000000x32xf32, #tpu.memory_space<hbm>>) target(%dma_start3A_3 : memref<128x32xf32, #tpu.memory_space<vmem>>) offsets(%dma_start3A_6 : memref<128xi32, #tpu.memory_space<vmem>>) semaphore(%arg16 : memref<!tpu.dma_semaphore, #tpu.memory_space<semaphore_mem>>)
    %dma_start3A_10 = arith.constant 0 : i32
    %dma_start3A_11 = arith.constant 0 : i32
    %dma_start3A_12 = arith.constant 0 : i32
    %dma_start3A_13 = tpu.memref_slice %arg12[%dma_start3A_11, %dma_start3A_12] : memref<512x32xf32, #tpu.memory_space<vmem>> -> memref<128x32xf32, #tpu.memory_space<vmem>>
    %dma_start3A_14 = arith.constant 0 : i32
    %dma_start3A_15 = tpu.memref_slice %arg10[%dma_start3A_10, %dma_start3A_14] : memref<4x128xi32, #tpu.memory_space<vmem>> -> memref<1x128xi32, #tpu.memory_space<vmem>>
    %dma_start3A_16 = tpu.memref_squeeze %dma_start3A_15 : memref<1x128xi32, #tpu.memory_space<vmem>> -> memref<128xi32, #tpu.memory_space<vmem>>
    %dma_start3A_17 = arith.constant 0 : i32
    %dma_start3A_18 = arith.constant 0 : i32
    %dma_start3A_19 = tpu.memref_slice %arg5[%dma_start3A_17, %dma_start3A_18] : memref<1000000x32xf32, #tpu.memory_space<hbm>> -> memref<1000000x32xf32, #tpu.memory_space<hbm>>
    tpu.enqueue_indirect_dma source(%dma_start3A_19 : memref<1000000x32xf32, #tpu.memory_space<hbm>>) target(%dma_start3A_13 : memref<128x32xf32, #tpu.memory_space<vmem>>) offsets(%dma_start3A_16 : memref<128xi32, #tpu.memory_space<vmem>>) semaphore(%arg16 : memref<!tpu.dma_semaphore, #tpu.memory_space<semaphore_mem>>)
    %dma_start3A_20 = arith.constant 0 : i32
    %dma_start3A_21 = arith.constant 0 : i32
    %dma_start3A_22 = tpu.memref_slice %arg13[%dma_start3A_21] : memref<512xf32, #tpu.memory_space<vmem>> -> memref<128xf32, #tpu.memory_space<vmem>>
    %dma_start3A_23 = arith.constant 0 : i32
    %dma_start3A_24 = tpu.memref_slice %arg9[%dma_start3A_20, %dma_start3A_23] : memref<4x128xi32, #tpu.memory_space<vmem>> -> memref<1x128xi32, #tpu.memory_space<vmem>>
    %dma_start3A_25 = tpu.memref_squeeze %dma_start3A_24 : memref<1x128xi32, #tpu.memory_space<vmem>> -> memref<128xi32, #tpu.memory_space<vmem>>
    %dma_start3A_26 = arith.constant 0 : i32
    %dma_start3A_27 = tpu.memref_slice %arg6[%dma_start3A_26] : memref<1000000xf32, #tpu.memory_space<hbm>> -> memref<1000000xf32, #tpu.memory_space<hbm>>
    tpu.enqueue_indirect_dma source(%dma_start3A_27 : memref<1000000xf32, #tpu.memory_space<hbm>>) target(%dma_start3A_22 : memref<128xf32, #tpu.memory_space<vmem>>) offsets(%dma_start3A_25 : memref<128xi32, #tpu.memory_space<vmem>>) semaphore(%arg16 : memref<!tpu.dma_semaphore, #tpu.memory_space<semaphore_mem>>)
    %dma_start3A_28 = arith.constant 0 : i32
    %dma_start3A_29 = arith.constant 0 : i32
    %dma_start3A_30 = tpu.memref_slice %arg14[%dma_start3A_29] : memref<512xf32, #tpu.memory_space<vmem>> -> memref<128xf32, #tpu.memory_space<vmem>>
    %dma_start3A_31 = arith.constant 0 : i32
    %dma_start3A_32 = tpu.memref_slice %arg10[%dma_start3A_28, %dma_start3A_31] : memref<4x128xi32, #tpu.memory_space<vmem>> -> memref<1x128xi32, #tpu.memory_space<vmem>>
    %dma_start3A_33 = tpu.memref_squeeze %dma_start3A_32 : memref<1x128xi32, #tpu.memory_space<vmem>> -> memref<128xi32, #tpu.memory_space<vmem>>
    %dma_start3A_34 = arith.constant 0 : i32
    %dma_start3A_35 = tpu.memref_slice %arg7[%dma_start3A_34] : memref<1000000xf32, #tpu.memory_space<hbm>> -> memref<1000000xf32, #tpu.memory_space<hbm>>
    tpu.enqueue_indirect_dma source(%dma_start3A_35 : memref<1000000xf32, #tpu.memory_space<hbm>>) target(%dma_start3A_30 : memref<128xf32, #tpu.memory_space<vmem>>) offsets(%dma_start3A_33 : memref<128xi32, #tpu.memory_space<vmem>>) semaphore(%arg16 : memref<!tpu.dma_semaphore, #tpu.memory_space<semaphore_mem>>)
    %dma_start3A_36 = arith.constant 1 : i32
    %dma_start3A_37 = arith.constant 128 : i32
    %dma_start3A_38 = arith.constant 0 : i32
    %dma_start3A_39 = tpu.memref_slice %arg11[%dma_start3A_37, %dma_start3A_38] : memref<512x32xf32, #tpu.memory_space<vmem>> -> memref<128x32xf32, #tpu.memory_space<vmem>>
    %dma_start3A_40 = arith.constant 0 : i32
    %dma_start3A_41 = tpu.memref_slice %arg9[%dma_start3A_36, %dma_start3A_40] : memref<4x128xi32, #tpu.memory_space<vmem>> -> memref<1x128xi32, #tpu.memory_space<vmem>>
    %dma_start3A_42 = tpu.memref_squeeze %dma_start3A_41 : memref<1x128xi32, #tpu.memory_space<vmem>> -> memref<128xi32, #tpu.memory_space<vmem>>
    %dma_start3A_43 = arith.constant 0 : i32
    %dma_start3A_44 = arith.constant 0 : i32
    %dma_start3A_45 = tpu.memref_slice %arg4[%dma_start3A_43, %dma_start3A_44] : memref<1000000x32xf32, #tpu.memory_space<hbm>> -> memref<1000000x32xf32, #tpu.memory_space<hbm>>
    tpu.enqueue_indirect_dma source(%dma_start3A_45 : memref<1000000x32xf32, #tpu.memory_space<hbm>>) target(%dma_start3A_39 : memref<128x32xf32, #tpu.memory_space<vmem>>) offsets(%dma_start3A_42 : memref<128xi32, #tpu.memory_space<vmem>>) semaphore(%arg16 : memref<!tpu.dma_semaphore, #tpu.memory_space<semaphore_mem>>)
    %dma_start3A_46 = arith.constant 1 : i32
    %dma_start3A_47 = arith.constant 128 : i32
    %dma_start3A_48 = arith.constant 0 : i32
    %dma_start3A_49 = tpu.memref_slice %arg12[%dma_start3A_47, %dma_start3A_48] : memref<512x32xf32, #tpu.memory_space<vmem>> -> memref<128x32xf32, #tpu.memory_space<vmem>>
    %dma_start3A_50 = arith.constant 0 : i32
    %dma_start3A_51 = tpu.memref_slice %arg10[%dma_start3A_46, %dma_start3A_50] : memref<4x128xi32, #tpu.memory_space<vmem>> -> memref<1x128xi32, #tpu.memory_space<vmem>>
    %dma_start3A_52 = tpu.memref_squeeze %dma_start3A_51 : memref<1x128xi32, #tpu.memory_space<vmem>> -> memref<128xi32, #tpu.memory_space<vmem>>
    %dma_start3A_53 = arith.constant 0 : i32
    %dma_start3A_54 = arith.constant 0 : i32
    %dma_start3A_55 = tpu.memref_slice %arg5[%dma_start3A_53, %dma_start3A_54] : memref<1000000x32xf32, #tpu.memory_space<hbm>> -> memref<1000000x32xf32, #tpu.memory_space<hbm>>
    tpu.enqueue_indirect_dma source(%dma_start3A_55 : memref<1000000x32xf32, #tpu.memory_space<hbm>>) target(%dma_start3A_49 : memref<128x32xf32, #tpu.memory_space<vmem>>) offsets(%dma_start3A_52 : memref<128xi32, #tpu.memory_space<vmem>>) semaphore(%arg16 : memref<!tpu.dma_semaphore, #tpu.memory_space<semaphore_mem>>)
    %dma_start3A_56 = arith.constant 1 : i32
    %dma_start3A_57 = arith.constant 128 : i32
    %dma_start3A_58 = tpu.memref_slice %arg13[%dma_start3A_57] : memref<512xf32, #tpu.memory_space<vmem>> -> memref<128xf32, #tpu.memory_space<vmem>>
    %dma_start3A_59 = arith.constant 0 : i32
    %dma_start3A_60 = tpu.memref_slice %arg9[%dma_start3A_56, %dma_start3A_59] : memref<4x128xi32, #tpu.memory_space<vmem>> -> memref<1x128xi32, #tpu.memory_space<vmem>>
    %dma_start3A_61 = tpu.memref_squeeze %dma_start3A_60 : memref<1x128xi32, #tpu.memory_space<vmem>> -> memref<128xi32, #tpu.memory_space<vmem>>
    %dma_start3A_62 = arith.constant 0 : i32
    %dma_start3A_63 = tpu.memref_slice %arg6[%dma_start3A_62] : memref<1000000xf32, #tpu.memory_space<hbm>> -> memref<1000000xf32, #tpu.memory_space<hbm>>
    tpu.enqueue_indirect_dma source(%dma_start3A_63 : memref<1000000xf32, #tpu.memory_space<hbm>>) target(%dma_start3A_58 : memref<128xf32, #tpu.memory_space<vmem>>) offsets(%dma_start3A_61 : memref<128xi32, #tpu.memory_space<vmem>>) semaphore(%arg16 : memref<!tpu.dma_semaphore, #tpu.memory_space<semaphore_mem>>)
    %dma_start3A_64 = arith.constant 1 : i32
    %dma_start3A_65 = arith.constant 128 : i32
    %dma_start3A_66 = tpu.memref_slice %arg14[%dma_start3A_65] : memref<512xf32, #tpu.memory_space<vmem>> -> memref<128xf32, #tpu.memory_space<vmem>>
    %dma_start3A_67 = arith.constant 0 : i32
    %dma_start3A_68 = tpu.memref_slice %arg10[%dma_start3A_64, %dma_start3A_67] : memref<4x128xi32, #tpu.memory_space<vmem>> -> memref<1x128xi32, #tpu.memory_space<vmem>>
    %dma_start3A_69 = tpu.memref_squeeze %dma_start3A_68 : memref<1x128xi32, #tpu.memory_space<vmem>> -> memref<128xi32, #tpu.memory_space<vmem>>
    %dma_start3A_70 = arith.constant 0 : i32
    %dma_start3A_71 = tpu.memref_slice %arg7[%dma_start3A_70] : memref<1000000xf32, #tpu.memory_space<hbm>> -> memref<1000000xf32, #tpu.memory_space<hbm>>
    tpu.enqueue_indirect_dma source(%dma_start3A_71 : memref<1000000xf32, #tpu.memory_space<hbm>>) target(%dma_start3A_66 : memref<128xf32, #tpu.memory_space<vmem>>) offsets(%dma_start3A_69 : memref<128xi32, #tpu.memory_space<vmem>>) semaphore(%arg16 : memref<!tpu.dma_semaphore, #tpu.memory_space<semaphore_mem>>)
    %dma_start3A_72 = arith.constant 2 : i32
    %dma_start3A_73 = arith.constant 256 : i32
    %dma_start3A_74 = arith.constant 0 : i32
    %dma_start3A_75 = tpu.memref_slice %arg11[%dma_start3A_73, %dma_start3A_74] : memref<512x32xf32, #tpu.memory_space<vmem>> -> memref<128x32xf32, #tpu.memory_space<vmem>>
    %dma_start3A_76 = arith.constant 0 : i32
    %dma_start3A_77 = tpu.memref_slice %arg9[%dma_start3A_72, %dma_start3A_76] : memref<4x128xi32, #tpu.memory_space<vmem>> -> memref<1x128xi32, #tpu.memory_space<vmem>>
    %dma_start3A_78 = tpu.memref_squeeze %dma_start3A_77 : memref<1x128xi32, #tpu.memory_space<vmem>> -> memref<128xi32, #tpu.memory_space<vmem>>
    %dma_start3A_79 = arith.constant 0 : i32
    %dma_start3A_80 = arith.constant 0 : i32
    %dma_start3A_81 = tpu.memref_slice %arg4[%dma_start3A_79, %dma_start3A_80] : memref<1000000x32xf32, #tpu.memory_space<hbm>> -> memref<1000000x32xf32, #tpu.memory_space<hbm>>
    tpu.enqueue_indirect_dma source(%dma_start3A_81 : memref<1000000x32xf32, #tpu.memory_space<hbm>>) target(%dma_start3A_75 : memref<128x32xf32, #tpu.memory_space<vmem>>) offsets(%dma_start3A_78 : memref<128xi32, #tpu.memory_space<vmem>>) semaphore(%arg16 : memref<!tpu.dma_semaphore, #tpu.memory_space<semaphore_mem>>)
    %dma_start3A_82 = arith.constant 2 : i32
    %dma_start3A_83 = arith.constant 256 : i32
    %dma_start3A_84 = arith.constant 0 : i32
    %dma_start3A_85 = tpu.memref_slice %arg12[%dma_start3A_83, %dma_start3A_84] : memref<512x32xf32, #tpu.memory_space<vmem>> -> memref<128x32xf32, #tpu.memory_space<vmem>>
    %dma_start3A_86 = arith.constant 0 : i32
    %dma_start3A_87 = tpu.memref_slice %arg10[%dma_start3A_82, %dma_start3A_86] : memref<4x128xi32, #tpu.memory_space<vmem>> -> memref<1x128xi32, #tpu.memory_space<vmem>>
    %dma_start3A_88 = tpu.memref_squeeze %dma_start3A_87 : memref<1x128xi32, #tpu.memory_space<vmem>> -> memref<128xi32, #tpu.memory_space<vmem>>
    %dma_start3A_89 = arith.constant 0 : i32
    %dma_start3A_90 = arith.constant 0 : i32
    %dma_start3A_91 = tpu.memref_slice %arg5[%dma_start3A_89, %dma_start3A_90] : memref<1000000x32xf32, #tpu.memory_space<hbm>> -> memref<1000000x32xf32, #tpu.memory_space<hbm>>
    tpu.enqueue_indirect_dma source(%dma_start3A_91 : memref<1000000x32xf32, #tpu.memory_space<hbm>>) target(%dma_start3A_85 : memref<128x32xf32, #tpu.memory_space<vmem>>) offsets(%dma_start3A_88 : memref<128xi32, #tpu.memory_space<vmem>>) semaphore(%arg16 : memref<!tpu.dma_semaphore, #tpu.memory_space<semaphore_mem>>)
    %dma_start3A_92 = arith.constant 2 : i32
    %dma_start3A_93 = arith.constant 256 : i32
    %dma_start3A_94 = tpu.memref_slice %arg13[%dma_start3A_93] : memref<512xf32, #tpu.memory_space<vmem>> -> memref<128xf32, #tpu.memory_space<vmem>>
    %dma_start3A_95 = arith.constant 0 : i32
    %dma_start3A_96 = tpu.memref_slice %arg9[%dma_start3A_92, %dma_start3A_95] : memref<4x128xi32, #tpu.memory_space<vmem>> -> memref<1x128xi32, #tpu.memory_space<vmem>>
    %dma_start3A_97 = tpu.memref_squeeze %dma_start3A_96 : memref<1x128xi32, #tpu.memory_space<vmem>> -> memref<128xi32, #tpu.memory_space<vmem>>
    %dma_start3A_98 = arith.constant 0 : i32
    %dma_start3A_99 = tpu.memref_slice %arg6[%dma_start3A_98] : memref<1000000xf32, #tpu.memory_space<hbm>> -> memref<1000000xf32, #tpu.memory_space<hbm>>
    tpu.enqueue_indirect_dma source(%dma_start3A_99 : memref<1000000xf32, #tpu.memory_space<hbm>>) target(%dma_start3A_94 : memref<128xf32, #tpu.memory_space<vmem>>) offsets(%dma_start3A_97 : memref<128xi32, #tpu.memory_space<vmem>>) semaphore(%arg16 : memref<!tpu.dma_semaphore, #tpu.memory_space<semaphore_mem>>)
    %dma_start3A_100 = arith.constant 2 : i32
    %dma_start3A_101 = arith.constant 256 : i32
    %dma_start3A_102 = tpu.memref_slice %arg14[%dma_start3A_101] : memref<512xf32, #tpu.memory_space<vmem>> -> memref<128xf32, #tpu.memory_space<vmem>>
    %dma_start3A_103 = arith.constant 0 : i32
    %dma_start3A_104 = tpu.memref_slice %arg10[%dma_start3A_100, %dma_start3A_103] : memref<4x128xi32, #tpu.memory_space<vmem>> -> memref<1x128xi32, #tpu.memory_space<vmem>>
    %dma_start3A_105 = tpu.memref_squeeze %dma_start3A_104 : memref<1x128xi32, #tpu.memory_space<vmem>> -> memref<128xi32, #tpu.memory_space<vmem>>
    %dma_start3A_106 = arith.constant 0 : i32
    %dma_start3A_107 = tpu.memref_slice %arg7[%dma_start3A_106] : memref<1000000xf32, #tpu.memory_space<hbm>> -> memref<1000000xf32, #tpu.memory_space<hbm>>
    tpu.enqueue_indirect_dma source(%dma_start3A_107 : memref<1000000xf32, #tpu.memory_space<hbm>>) target(%dma_start3A_102 : memref<128xf32, #tpu.memory_space<vmem>>) offsets(%dma_start3A_105 : memref<128xi32, #tpu.memory_space<vmem>>) semaphore(%arg16 : memref<!tpu.dma_semaphore, #tpu.memory_space<semaphore_mem>>)
    %dma_start3A_108 = arith.constant 3 : i32
    %dma_start3A_109 = arith.constant 384 : i32
    %dma_start3A_110 = arith.constant 0 : i32
    %dma_start3A_111 = tpu.memref_slice %arg11[%dma_start3A_109, %dma_start3A_110] : memref<512x32xf32, #tpu.memory_space<vmem>> -> memref<128x32xf32, #tpu.memory_space<vmem>>
    %dma_start3A_112 = arith.constant 0 : i32
    %dma_start3A_113 = tpu.memref_slice %arg9[%dma_start3A_108, %dma_start3A_112] : memref<4x128xi32, #tpu.memory_space<vmem>> -> memref<1x128xi32, #tpu.memory_space<vmem>>
    %dma_start3A_114 = tpu.memref_squeeze %dma_start3A_113 : memref<1x128xi32, #tpu.memory_space<vmem>> -> memref<128xi32, #tpu.memory_space<vmem>>
    %dma_start3A_115 = arith.constant 0 : i32
    %dma_start3A_116 = arith.constant 0 : i32
    %dma_start3A_117 = tpu.memref_slice %arg4[%dma_start3A_115, %dma_start3A_116] : memref<1000000x32xf32, #tpu.memory_space<hbm>> -> memref<1000000x32xf32, #tpu.memory_space<hbm>>
    tpu.enqueue_indirect_dma source(%dma_start3A_117 : memref<1000000x32xf32, #tpu.memory_space<hbm>>) target(%dma_start3A_111 : memref<128x32xf32, #tpu.memory_space<vmem>>) offsets(%dma_start3A_114 : memref<128xi32, #tpu.memory_space<vmem>>) semaphore(%arg16 : memref<!tpu.dma_semaphore, #tpu.memory_space<semaphore_mem>>)
    %dma_start3A_118 = arith.constant 3 : i32
    %dma_start3A_119 = arith.constant 384 : i32
    %dma_start3A_120 = arith.constant 0 : i32
    %dma_start3A_121 = tpu.memref_slice %arg12[%dma_start3A_119, %dma_start3A_120] : memref<512x32xf32, #tpu.memory_space<vmem>> -> memref<128x32xf32, #tpu.memory_space<vmem>>
    %dma_start3A_122 = arith.constant 0 : i32
    %dma_start3A_123 = tpu.memref_slice %arg10[%dma_start3A_118, %dma_start3A_122] : memref<4x128xi32, #tpu.memory_space<vmem>> -> memref<1x128xi32, #tpu.memory_space<vmem>>
    %dma_start3A_124 = tpu.memref_squeeze %dma_start3A_123 : memref<1x128xi32, #tpu.memory_space<vmem>> -> memref<128xi32, #tpu.memory_space<vmem>>
    %dma_start3A_125 = arith.constant 0 : i32
    %dma_start3A_126 = arith.constant 0 : i32
    %dma_start3A_127 = tpu.memref_slice %arg5[%dma_start3A_125, %dma_start3A_126] : memref<1000000x32xf32, #tpu.memory_space<hbm>> -> memref<1000000x32xf32, #tpu.memory_space<hbm>>
    tpu.enqueue_indirect_dma source(%dma_start3A_127 : memref<1000000x32xf32, #tpu.memory_space<hbm>>) target(%dma_start3A_121 : memref<128x32xf32, #tpu.memory_space<vmem>>) offsets(%dma_start3A_124 : memref<128xi32, #tpu.memory_space<vmem>>) semaphore(%arg16 : memref<!tpu.dma_semaphore, #tpu.memory_space<semaphore_mem>>)
    %dma_start3A_128 = arith.constant 3 : i32
    %dma_start3A_129 = arith.constant 384 : i32
    %dma_start3A_130 = tpu.memref_slice %arg13[%dma_start3A_129] : memref<512xf32, #tpu.memory_space<vmem>> -> memref<128xf32, #tpu.memory_space<vmem>>
    %dma_start3A_131 = arith.constant 0 : i32
    %dma_start3A_132 = tpu.memref_slice %arg9[%dma_start3A_128, %dma_start3A_131] : memref<4x128xi32, #tpu.memory_space<vmem>> -> memref<1x128xi32, #tpu.memory_space<vmem>>
    %dma_start3A_133 = tpu.memref_squeeze %dma_start3A_132 : memref<1x128xi32, #tpu.memory_space<vmem>> -> memref<128xi32, #tpu.memory_space<vmem>>
    %dma_start3A_134 = arith.constant 0 : i32
    %dma_start3A_135 = tpu.memref_slice %arg6[%dma_start3A_134] : memref<1000000xf32, #tpu.memory_space<hbm>> -> memref<1000000xf32, #tpu.memory_space<hbm>>
    tpu.enqueue_indirect_dma source(%dma_start3A_135 : memref<1000000xf32, #tpu.memory_space<hbm>>) target(%dma_start3A_130 : memref<128xf32, #tpu.memory_space<vmem>>) offsets(%dma_start3A_133 : memref<128xi32, #tpu.memory_space<vmem>>) semaphore(%arg16 : memref<!tpu.dma_semaphore, #tpu.memory_space<semaphore_mem>>)
    %dma_start3A_136 = arith.constant 3 : i32
    %dma_start3A_137 = arith.constant 384 : i32
    %dma_start3A_138 = tpu.memref_slice %arg14[%dma_start3A_137] : memref<512xf32, #tpu.memory_space<vmem>> -> memref<128xf32, #tpu.memory_space<vmem>>
    %dma_start3A_139 = arith.constant 0 : i32
    %dma_start3A_140 = tpu.memref_slice %arg10[%dma_start3A_136, %dma_start3A_139] : memref<4x128xi32, #tpu.memory_space<vmem>> -> memref<1x128xi32, #tpu.memory_space<vmem>>
    %dma_start3A_141 = tpu.memref_squeeze %dma_start3A_140 : memref<1x128xi32, #tpu.memory_space<vmem>> -> memref<128xi32, #tpu.memory_space<vmem>>
    %dma_start3A_142 = arith.constant 0 : i32
    %dma_start3A_143 = tpu.memref_slice %arg7[%dma_start3A_142] : memref<1000000xf32, #tpu.memory_space<hbm>> -> memref<1000000xf32, #tpu.memory_space<hbm>>
    tpu.enqueue_indirect_dma source(%dma_start3A_143 : memref<1000000xf32, #tpu.memory_space<hbm>>) target(%dma_start3A_138 : memref<128xf32, #tpu.memory_space<vmem>>) offsets(%dma_start3A_141 : memref<128xi32, #tpu.memory_space<vmem>>) semaphore(%arg16 : memref<!tpu.dma_semaphore, #tpu.memory_space<semaphore_mem>>)
    %dma_wait3A = arith.constant 0 : i32
    %dma_wait3A_144 = arith.constant 0 : i32
    %dma_wait3A_145 = arith.constant 0 : i32
    %dma_wait3A_146 = tpu.memref_slice %arg11[%dma_wait3A_144, %dma_wait3A_145] : memref<512x32xf32, #tpu.memory_space<vmem>> -> memref<128x32xf32, #tpu.memory_space<vmem>>
    %dma_wait3A_147 = arith.constant 0 : i32
    %dma_wait3A_148 = tpu.memref_slice %arg9[%dma_wait3A, %dma_wait3A_147] : memref<4x128xi32, #tpu.memory_space<vmem>> -> memref<1x128xi32, #tpu.memory_space<vmem>>
    %dma_wait3A_149 = tpu.memref_squeeze %dma_wait3A_148 : memref<1x128xi32, #tpu.memory_space<vmem>> -> memref<128xi32, #tpu.memory_space<vmem>>
    %dma_wait3A_150 = arith.constant 0 : i32
    %dma_wait3A_151 = arith.constant 0 : i32
    %dma_wait3A_152 = tpu.memref_slice %arg4[%dma_wait3A_150, %dma_wait3A_151] : memref<1000000x32xf32, #tpu.memory_space<hbm>> -> memref<1000000x32xf32, #tpu.memory_space<hbm>>
    tpu.wait_indirect_dma semaphore(%arg16 : memref<!tpu.dma_semaphore, #tpu.memory_space<semaphore_mem>>) src(%dma_wait3A_152 : memref<1000000x32xf32, #tpu.memory_space<hbm>>) dst(%dma_wait3A_146 : memref<128x32xf32, #tpu.memory_space<vmem>>)
    %dma_wait3A_153 = arith.constant 0 : i32
    %dma_wait3A_154 = arith.constant 0 : i32
    %dma_wait3A_155 = arith.constant 0 : i32
    %dma_wait3A_156 = tpu.memref_slice %arg12[%dma_wait3A_154, %dma_wait3A_155] : memref<512x32xf32, #tpu.memory_space<vmem>> -> memref<128x32xf32, #tpu.memory_space<vmem>>
    %dma_wait3A_157 = arith.constant 0 : i32
    %dma_wait3A_158 = tpu.memref_slice %arg10[%dma_wait3A_153, %dma_wait3A_157] : memref<4x128xi32, #tpu.memory_space<vmem>> -> memref<1x128xi32, #tpu.memory_space<vmem>>
    %dma_wait3A_159 = tpu.memref_squeeze %dma_wait3A_158 : memref<1x128xi32, #tpu.memory_space<vmem>> -> memref<128xi32, #tpu.memory_space<vmem>>
    %dma_wait3A_160 = arith.constant 0 : i32
    %dma_wait3A_161 = arith.constant 0 : i32
    %dma_wait3A_162 = tpu.memref_slice %arg5[%dma_wait3A_160, %dma_wait3A_161] : memref<1000000x32xf32, #tpu.memory_space<hbm>> -> memref<1000000x32xf32, #tpu.memory_space<hbm>>
    tpu.wait_indirect_dma semaphore(%arg16 : memref<!tpu.dma_semaphore, #tpu.memory_space<semaphore_mem>>) src(%dma_wait3A_162 : memref<1000000x32xf32, #tpu.memory_space<hbm>>) dst(%dma_wait3A_156 : memref<128x32xf32, #tpu.memory_space<vmem>>)
    %dma_wait3A_163 = arith.constant 0 : i32
    %dma_wait3A_164 = arith.constant 0 : i32
    %dma_wait3A_165 = tpu.memref_slice %arg13[%dma_wait3A_164] : memref<512xf32, #tpu.memory_space<vmem>> -> memref<128xf32, #tpu.memory_space<vmem>>
    %dma_wait3A_166 = arith.constant 0 : i32
    %dma_wait3A_167 = tpu.memref_slice %arg9[%dma_wait3A_163, %dma_wait3A_166] : memref<4x128xi32, #tpu.memory_space<vmem>> -> memref<1x128xi32, #tpu.memory_space<vmem>>
    %dma_wait3A_168 = tpu.memref_squeeze %dma_wait3A_167 : memref<1x128xi32, #tpu.memory_space<vmem>> -> memref<128xi32, #tpu.memory_space<vmem>>
    %dma_wait3A_169 = arith.constant 0 : i32
    %dma_wait3A_170 = tpu.memref_slice %arg6[%dma_wait3A_169] : memref<1000000xf32, #tpu.memory_space<hbm>> -> memref<1000000xf32, #tpu.memory_space<hbm>>
    tpu.wait_indirect_dma semaphore(%arg16 : memref<!tpu.dma_semaphore, #tpu.memory_space<semaphore_mem>>) src(%dma_wait3A_170 : memref<1000000xf32, #tpu.memory_space<hbm>>) dst(%dma_wait3A_165 : memref<128xf32, #tpu.memory_space<vmem>>)
    %dma_wait3A_171 = arith.constant 0 : i32
    %dma_wait3A_172 = arith.constant 0 : i32
    %dma_wait3A_173 = tpu.memref_slice %arg14[%dma_wait3A_172] : memref<512xf32, #tpu.memory_space<vmem>> -> memref<128xf32, #tpu.memory_space<vmem>>
    %dma_wait3A_174 = arith.constant 0 : i32
    %dma_wait3A_175 = tpu.memref_slice %arg10[%dma_wait3A_171, %dma_wait3A_174] : memref<4x128xi32, #tpu.memory_space<vmem>> -> memref<1x128xi32, #tpu.memory_space<vmem>>
    %dma_wait3A_176 = tpu.memref_squeeze %dma_wait3A_175 : memref<1x128xi32, #tpu.memory_space<vmem>> -> memref<128xi32, #tpu.memory_space<vmem>>
    %dma_wait3A_177 = arith.constant 0 : i32
    %dma_wait3A_178 = tpu.memref_slice %arg7[%dma_wait3A_177] : memref<1000000xf32, #tpu.memory_space<hbm>> -> memref<1000000xf32, #tpu.memory_space<hbm>>
    tpu.wait_indirect_dma semaphore(%arg16 : memref<!tpu.dma_semaphore, #tpu.memory_space<semaphore_mem>>) src(%dma_wait3A_178 : memref<1000000xf32, #tpu.memory_space<hbm>>) dst(%dma_wait3A_173 : memref<128xf32, #tpu.memory_space<vmem>>)
    %dma_wait3A_179 = arith.constant 1 : i32
    %dma_wait3A_180 = arith.constant 128 : i32
    %dma_wait3A_181 = arith.constant 0 : i32
    %dma_wait3A_182 = tpu.memref_slice %arg11[%dma_wait3A_180, %dma_wait3A_181] : memref<512x32xf32, #tpu.memory_space<vmem>> -> memref<128x32xf32, #tpu.memory_space<vmem>>
    %dma_wait3A_183 = arith.constant 0 : i32
    %dma_wait3A_184 = tpu.memref_slice %arg9[%dma_wait3A_179, %dma_wait3A_183] : memref<4x128xi32, #tpu.memory_space<vmem>> -> memref<1x128xi32, #tpu.memory_space<vmem>>
    %dma_wait3A_185 = tpu.memref_squeeze %dma_wait3A_184 : memref<1x128xi32, #tpu.memory_space<vmem>> -> memref<128xi32, #tpu.memory_space<vmem>>
    %dma_wait3A_186 = arith.constant 0 : i32
    %dma_wait3A_187 = arith.constant 0 : i32
    %dma_wait3A_188 = tpu.memref_slice %arg4[%dma_wait3A_186, %dma_wait3A_187] : memref<1000000x32xf32, #tpu.memory_space<hbm>> -> memref<1000000x32xf32, #tpu.memory_space<hbm>>
    tpu.wait_indirect_dma semaphore(%arg16 : memref<!tpu.dma_semaphore, #tpu.memory_space<semaphore_mem>>) src(%dma_wait3A_188 : memref<1000000x32xf32, #tpu.memory_space<hbm>>) dst(%dma_wait3A_182 : memref<128x32xf32, #tpu.memory_space<vmem>>)
    %dma_wait3A_189 = arith.constant 1 : i32
    %dma_wait3A_190 = arith.constant 128 : i32
    %dma_wait3A_191 = arith.constant 0 : i32
    %dma_wait3A_192 = tpu.memref_slice %arg12[%dma_wait3A_190, %dma_wait3A_191] : memref<512x32xf32, #tpu.memory_space<vmem>> -> memref<128x32xf32, #tpu.memory_space<vmem>>
    %dma_wait3A_193 = arith.constant 0 : i32
    %dma_wait3A_194 = tpu.memref_slice %arg10[%dma_wait3A_189, %dma_wait3A_193] : memref<4x128xi32, #tpu.memory_space<vmem>> -> memref<1x128xi32, #tpu.memory_space<vmem>>
    %dma_wait3A_195 = tpu.memref_squeeze %dma_wait3A_194 : memref<1x128xi32, #tpu.memory_space<vmem>> -> memref<128xi32, #tpu.memory_space<vmem>>
    %dma_wait3A_196 = arith.constant 0 : i32
    %dma_wait3A_197 = arith.constant 0 : i32
    %dma_wait3A_198 = tpu.memref_slice %arg5[%dma_wait3A_196, %dma_wait3A_197] : memref<1000000x32xf32, #tpu.memory_space<hbm>> -> memref<1000000x32xf32, #tpu.memory_space<hbm>>
    tpu.wait_indirect_dma semaphore(%arg16 : memref<!tpu.dma_semaphore, #tpu.memory_space<semaphore_mem>>) src(%dma_wait3A_198 : memref<1000000x32xf32, #tpu.memory_space<hbm>>) dst(%dma_wait3A_192 : memref<128x32xf32, #tpu.memory_space<vmem>>)
    %dma_wait3A_199 = arith.constant 1 : i32
    %dma_wait3A_200 = arith.constant 128 : i32
    %dma_wait3A_201 = tpu.memref_slice %arg13[%dma_wait3A_200] : memref<512xf32, #tpu.memory_space<vmem>> -> memref<128xf32, #tpu.memory_space<vmem>>
    %dma_wait3A_202 = arith.constant 0 : i32
    %dma_wait3A_203 = tpu.memref_slice %arg9[%dma_wait3A_199, %dma_wait3A_202] : memref<4x128xi32, #tpu.memory_space<vmem>> -> memref<1x128xi32, #tpu.memory_space<vmem>>
    %dma_wait3A_204 = tpu.memref_squeeze %dma_wait3A_203 : memref<1x128xi32, #tpu.memory_space<vmem>> -> memref<128xi32, #tpu.memory_space<vmem>>
    %dma_wait3A_205 = arith.constant 0 : i32
    %dma_wait3A_206 = tpu.memref_slice %arg6[%dma_wait3A_205] : memref<1000000xf32, #tpu.memory_space<hbm>> -> memref<1000000xf32, #tpu.memory_space<hbm>>
    tpu.wait_indirect_dma semaphore(%arg16 : memref<!tpu.dma_semaphore, #tpu.memory_space<semaphore_mem>>) src(%dma_wait3A_206 : memref<1000000xf32, #tpu.memory_space<hbm>>) dst(%dma_wait3A_201 : memref<128xf32, #tpu.memory_space<vmem>>)
    %dma_wait3A_207 = arith.constant 1 : i32
    %dma_wait3A_208 = arith.constant 128 : i32
    %dma_wait3A_209 = tpu.memref_slice %arg14[%dma_wait3A_208] : memref<512xf32, #tpu.memory_space<vmem>> -> memref<128xf32, #tpu.memory_space<vmem>>
    %dma_wait3A_210 = arith.constant 0 : i32
    %dma_wait3A_211 = tpu.memref_slice %arg10[%dma_wait3A_207, %dma_wait3A_210] : memref<4x128xi32, #tpu.memory_space<vmem>> -> memref<1x128xi32, #tpu.memory_space<vmem>>
    %dma_wait3A_212 = tpu.memref_squeeze %dma_wait3A_211 : memref<1x128xi32, #tpu.memory_space<vmem>> -> memref<128xi32, #tpu.memory_space<vmem>>
    %dma_wait3A_213 = arith.constant 0 : i32
    %dma_wait3A_214 = tpu.memref_slice %arg7[%dma_wait3A_213] : memref<1000000xf32, #tpu.memory_space<hbm>> -> memref<1000000xf32, #tpu.memory_space<hbm>>
    tpu.wait_indirect_dma semaphore(%arg16 : memref<!tpu.dma_semaphore, #tpu.memory_space<semaphore_mem>>) src(%dma_wait3A_214 : memref<1000000xf32, #tpu.memory_space<hbm>>) dst(%dma_wait3A_209 : memref<128xf32, #tpu.memory_space<vmem>>)
    %dma_wait3A_215 = arith.constant 2 : i32
    %dma_wait3A_216 = arith.constant 256 : i32
    %dma_wait3A_217 = arith.constant 0 : i32
    %dma_wait3A_218 = tpu.memref_slice %arg11[%dma_wait3A_216, %dma_wait3A_217] : memref<512x32xf32, #tpu.memory_space<vmem>> -> memref<128x32xf32, #tpu.memory_space<vmem>>
    %dma_wait3A_219 = arith.constant 0 : i32
    %dma_wait3A_220 = tpu.memref_slice %arg9[%dma_wait3A_215, %dma_wait3A_219] : memref<4x128xi32, #tpu.memory_space<vmem>> -> memref<1x128xi32, #tpu.memory_space<vmem>>
    %dma_wait3A_221 = tpu.memref_squeeze %dma_wait3A_220 : memref<1x128xi32, #tpu.memory_space<vmem>> -> memref<128xi32, #tpu.memory_space<vmem>>
    %dma_wait3A_222 = arith.constant 0 : i32
    %dma_wait3A_223 = arith.constant 0 : i32
    %dma_wait3A_224 = tpu.memref_slice %arg4[%dma_wait3A_222, %dma_wait3A_223] : memref<1000000x32xf32, #tpu.memory_space<hbm>> -> memref<1000000x32xf32, #tpu.memory_space<hbm>>
    tpu.wait_indirect_dma semaphore(%arg16 : memref<!tpu.dma_semaphore, #tpu.memory_space<semaphore_mem>>) src(%dma_wait3A_224 : memref<1000000x32xf32, #tpu.memory_space<hbm>>) dst(%dma_wait3A_218 : memref<128x32xf32, #tpu.memory_space<vmem>>)
    %dma_wait3A_225 = arith.constant 2 : i32
    %dma_wait3A_226 = arith.constant 256 : i32
    %dma_wait3A_227 = arith.constant 0 : i32
    %dma_wait3A_228 = tpu.memref_slice %arg12[%dma_wait3A_226, %dma_wait3A_227] : memref<512x32xf32, #tpu.memory_space<vmem>> -> memref<128x32xf32, #tpu.memory_space<vmem>>
    %dma_wait3A_229 = arith.constant 0 : i32
    %dma_wait3A_230 = tpu.memref_slice %arg10[%dma_wait3A_225, %dma_wait3A_229] : memref<4x128xi32, #tpu.memory_space<vmem>> -> memref<1x128xi32, #tpu.memory_space<vmem>>
    %dma_wait3A_231 = tpu.memref_squeeze %dma_wait3A_230 : memref<1x128xi32, #tpu.memory_space<vmem>> -> memref<128xi32, #tpu.memory_space<vmem>>
    %dma_wait3A_232 = arith.constant 0 : i32
    %dma_wait3A_233 = arith.constant 0 : i32
    %dma_wait3A_234 = tpu.memref_slice %arg5[%dma_wait3A_232, %dma_wait3A_233] : memref<1000000x32xf32, #tpu.memory_space<hbm>> -> memref<1000000x32xf32, #tpu.memory_space<hbm>>
    tpu.wait_indirect_dma semaphore(%arg16 : memref<!tpu.dma_semaphore, #tpu.memory_space<semaphore_mem>>) src(%dma_wait3A_234 : memref<1000000x32xf32, #tpu.memory_space<hbm>>) dst(%dma_wait3A_228 : memref<128x32xf32, #tpu.memory_space<vmem>>)
    %dma_wait3A_235 = arith.constant 2 : i32
    %dma_wait3A_236 = arith.constant 256 : i32
    %dma_wait3A_237 = tpu.memref_slice %arg13[%dma_wait3A_236] : memref<512xf32, #tpu.memory_space<vmem>> -> memref<128xf32, #tpu.memory_space<vmem>>
    %dma_wait3A_238 = arith.constant 0 : i32
    %dma_wait3A_239 = tpu.memref_slice %arg9[%dma_wait3A_235, %dma_wait3A_238] : memref<4x128xi32, #tpu.memory_space<vmem>> -> memref<1x128xi32, #tpu.memory_space<vmem>>
    %dma_wait3A_240 = tpu.memref_squeeze %dma_wait3A_239 : memref<1x128xi32, #tpu.memory_space<vmem>> -> memref<128xi32, #tpu.memory_space<vmem>>
    %dma_wait3A_241 = arith.constant 0 : i32
    %dma_wait3A_242 = tpu.memref_slice %arg6[%dma_wait3A_241] : memref<1000000xf32, #tpu.memory_space<hbm>> -> memref<1000000xf32, #tpu.memory_space<hbm>>
    tpu.wait_indirect_dma semaphore(%arg16 : memref<!tpu.dma_semaphore, #tpu.memory_space<semaphore_mem>>) src(%dma_wait3A_242 : memref<1000000xf32, #tpu.memory_space<hbm>>) dst(%dma_wait3A_237 : memref<128xf32, #tpu.memory_space<vmem>>)
    %dma_wait3A_243 = arith.constant 2 : i32
    %dma_wait3A_244 = arith.constant 256 : i32
    %dma_wait3A_245 = tpu.memref_slice %arg14[%dma_wait3A_244] : memref<512xf32, #tpu.memory_space<vmem>> -> memref<128xf32, #tpu.memory_space<vmem>>
    %dma_wait3A_246 = arith.constant 0 : i32
    %dma_wait3A_247 = tpu.memref_slice %arg10[%dma_wait3A_243, %dma_wait3A_246] : memref<4x128xi32, #tpu.memory_space<vmem>> -> memref<1x128xi32, #tpu.memory_space<vmem>>
    %dma_wait3A_248 = tpu.memref_squeeze %dma_wait3A_247 : memref<1x128xi32, #tpu.memory_space<vmem>> -> memref<128xi32, #tpu.memory_space<vmem>>
    %dma_wait3A_249 = arith.constant 0 : i32
    %dma_wait3A_250 = tpu.memref_slice %arg7[%dma_wait3A_249] : memref<1000000xf32, #tpu.memory_space<hbm>> -> memref<1000000xf32, #tpu.memory_space<hbm>>
    tpu.wait_indirect_dma semaphore(%arg16 : memref<!tpu.dma_semaphore, #tpu.memory_space<semaphore_mem>>) src(%dma_wait3A_250 : memref<1000000xf32, #tpu.memory_space<hbm>>) dst(%dma_wait3A_245 : memref<128xf32, #tpu.memory_space<vmem>>)
    %dma_wait3A_251 = arith.constant 3 : i32
    %dma_wait3A_252 = arith.constant 384 : i32
    %dma_wait3A_253 = arith.constant 0 : i32
    %dma_wait3A_254 = tpu.memref_slice %arg11[%dma_wait3A_252, %dma_wait3A_253] : memref<512x32xf32, #tpu.memory_space<vmem>> -> memref<128x32xf32, #tpu.memory_space<vmem>>
    %dma_wait3A_255 = arith.constant 0 : i32
    %dma_wait3A_256 = tpu.memref_slice %arg9[%dma_wait3A_251, %dma_wait3A_255] : memref<4x128xi32, #tpu.memory_space<vmem>> -> memref<1x128xi32, #tpu.memory_space<vmem>>
    %dma_wait3A_257 = tpu.memref_squeeze %dma_wait3A_256 : memref<1x128xi32, #tpu.memory_space<vmem>> -> memref<128xi32, #tpu.memory_space<vmem>>
    %dma_wait3A_258 = arith.constant 0 : i32
    %dma_wait3A_259 = arith.constant 0 : i32
    %dma_wait3A_260 = tpu.memref_slice %arg4[%dma_wait3A_258, %dma_wait3A_259] : memref<1000000x32xf32, #tpu.memory_space<hbm>> -> memref<1000000x32xf32, #tpu.memory_space<hbm>>
    tpu.wait_indirect_dma semaphore(%arg16 : memref<!tpu.dma_semaphore, #tpu.memory_space<semaphore_mem>>) src(%dma_wait3A_260 : memref<1000000x32xf32, #tpu.memory_space<hbm>>) dst(%dma_wait3A_254 : memref<128x32xf32, #tpu.memory_space<vmem>>)
    %dma_wait3A_261 = arith.constant 3 : i32
    %dma_wait3A_262 = arith.constant 384 : i32
    %dma_wait3A_263 = arith.constant 0 : i32
    %dma_wait3A_264 = tpu.memref_slice %arg12[%dma_wait3A_262, %dma_wait3A_263] : memref<512x32xf32, #tpu.memory_space<vmem>> -> memref<128x32xf32, #tpu.memory_space<vmem>>
    %dma_wait3A_265 = arith.constant 0 : i32
    %dma_wait3A_266 = tpu.memref_slice %arg10[%dma_wait3A_261, %dma_wait3A_265] : memref<4x128xi32, #tpu.memory_space<vmem>> -> memref<1x128xi32, #tpu.memory_space<vmem>>
    %dma_wait3A_267 = tpu.memref_squeeze %dma_wait3A_266 : memref<1x128xi32, #tpu.memory_space<vmem>> -> memref<128xi32, #tpu.memory_space<vmem>>
    %dma_wait3A_268 = arith.constant 0 : i32
    %dma_wait3A_269 = arith.constant 0 : i32
    %dma_wait3A_270 = tpu.memref_slice %arg5[%dma_wait3A_268, %dma_wait3A_269] : memref<1000000x32xf32, #tpu.memory_space<hbm>> -> memref<1000000x32xf32, #tpu.memory_space<hbm>>
    tpu.wait_indirect_dma semaphore(%arg16 : memref<!tpu.dma_semaphore, #tpu.memory_space<semaphore_mem>>) src(%dma_wait3A_270 : memref<1000000x32xf32, #tpu.memory_space<hbm>>) dst(%dma_wait3A_264 : memref<128x32xf32, #tpu.memory_space<vmem>>)
    %dma_wait3A_271 = arith.constant 3 : i32
    %dma_wait3A_272 = arith.constant 384 : i32
    %dma_wait3A_273 = tpu.memref_slice %arg13[%dma_wait3A_272] : memref<512xf32, #tpu.memory_space<vmem>> -> memref<128xf32, #tpu.memory_space<vmem>>
    %dma_wait3A_274 = arith.constant 0 : i32
    %dma_wait3A_275 = tpu.memref_slice %arg9[%dma_wait3A_271, %dma_wait3A_274] : memref<4x128xi32, #tpu.memory_space<vmem>> -> memref<1x128xi32, #tpu.memory_space<vmem>>
    %dma_wait3A_276 = tpu.memref_squeeze %dma_wait3A_275 : memref<1x128xi32, #tpu.memory_space<vmem>> -> memref<128xi32, #tpu.memory_space<vmem>>
    %dma_wait3A_277 = arith.constant 0 : i32
    %dma_wait3A_278 = tpu.memref_slice %arg6[%dma_wait3A_277] : memref<1000000xf32, #tpu.memory_space<hbm>> -> memref<1000000xf32, #tpu.memory_space<hbm>>
    tpu.wait_indirect_dma semaphore(%arg16 : memref<!tpu.dma_semaphore, #tpu.memory_space<semaphore_mem>>) src(%dma_wait3A_278 : memref<1000000xf32, #tpu.memory_space<hbm>>) dst(%dma_wait3A_273 : memref<128xf32, #tpu.memory_space<vmem>>)
    %dma_wait3A_279 = arith.constant 3 : i32
    %dma_wait3A_280 = arith.constant 384 : i32
    %dma_wait3A_281 = tpu.memref_slice %arg14[%dma_wait3A_280] : memref<512xf32, #tpu.memory_space<vmem>> -> memref<128xf32, #tpu.memory_space<vmem>>
    %dma_wait3A_282 = arith.constant 0 : i32
    %dma_wait3A_283 = tpu.memref_slice %arg10[%dma_wait3A_279, %dma_wait3A_282] : memref<4x128xi32, #tpu.memory_space<vmem>> -> memref<1x128xi32, #tpu.memory_space<vmem>>
    %dma_wait3A_284 = tpu.memref_squeeze %dma_wait3A_283 : memref<1x128xi32, #tpu.memory_space<vmem>> -> memref<128xi32, #tpu.memory_space<vmem>>
    %dma_wait3A_285 = arith.constant 0 : i32
    %dma_wait3A_286 = tpu.memref_slice %arg7[%dma_wait3A_285] : memref<1000000xf32, #tpu.memory_space<hbm>> -> memref<1000000xf32, #tpu.memory_space<hbm>>
    tpu.wait_indirect_dma semaphore(%arg16 : memref<!tpu.dma_semaphore, #tpu.memory_space<semaphore_mem>>) src(%dma_wait3A_286 : memref<1000000xf32, #tpu.memory_space<hbm>>) dst(%dma_wait3A_281 : memref<128xf32, #tpu.memory_space<vmem>>)
    %iota3A = tpu.iota {dimensions = array<i32: 0>} : vector<16xi32>
    %scan3A = arith.constant 0 : i32
    %scan3A_287 = arith.constant 0 : i32
    %scan3A_288 = arith.constant 32 : i32
    %scan3A_289 = arith.addi %scan3A_287, %scan3A_288 : i32
    %scan3A_290 = arith.constant 1 : i32
    scf.for %scan3A_294 = %scan3A_287 to %scan3A_289 step %scan3A_290  : i32 {
      %mul3A_295 = arith.constant 16 : i32
      %mul3A_296 = arith.muli %scan3A_294, %mul3A_295 : i32
      %add3A_297 = vector.broadcast %mul3A_296 : i32 to vector<16xi32>
      %add3A_298 = arith.addi %add3A_297, %iota3A : vector<16xi32>
      %broadcast_in_dim3A = arith.constant 0.000000e+00 : f32
      %broadcast_in_dim3A_299 = vector.broadcast %broadcast_in_dim3A : f32 to vector<16xf32>
      %broadcast_in_dim3A_300 = arith.constant 0 : i32
      %broadcast_in_dim3A_301 = vector.broadcast %broadcast_in_dim3A_300 : i32 to vector<16xi32>
      %gather3A = tpu.vector_load_idx %arg11[%add3A_298, %broadcast_in_dim3A_301] : memref<512x32xf32, #tpu.memory_space<vmem>>[vector<16xi32>, vector<16xi32>], vector<16xf32>,
      %gather3A_302 = tpu.vector_load_idx %arg12[%add3A_298, %broadcast_in_dim3A_301] : memref<512x32xf32, #tpu.memory_space<vmem>>[vector<16xi32>, vector<16xi32>], vector<16xf32>,
      %mul3A_303 = arith.mulf %gather3A, %gather3A_302 : vector<16xf32>
      %add3A_304 = arith.addf %broadcast_in_dim3A_299, %mul3A_303 : vector<16xf32>
      %broadcast_in_dim3A_305 = arith.constant 1 : i32
      %broadcast_in_dim3A_306 = vector.broadcast %broadcast_in_dim3A_305 : i32 to vector<16xi32>
      %gather3A_307 = tpu.vector_load_idx %arg11[%add3A_298, %broadcast_in_dim3A_306] : memref<512x32xf32, #tpu.memory_space<vmem>>[vector<16xi32>, vector<16xi32>], vector<16xf32>,
      %gather3A_308 = tpu.vector_load_idx %arg12[%add3A_298, %broadcast_in_dim3A_306] : memref<512x32xf32, #tpu.memory_space<vmem>>[vector<16xi32>, vector<16xi32>], vector<16xf32>,
      %mul3A_309 = arith.mulf %gather3A_307, %gather3A_308 : vector<16xf32>
      %add3A_310 = arith.addf %add3A_304, %mul3A_309 : vector<16xf32>
      %broadcast_in_dim3A_311 = arith.constant 2 : i32
      %broadcast_in_dim3A_312 = vector.broadcast %broadcast_in_dim3A_311 : i32 to vector<16xi32>
      %gather3A_313 = tpu.vector_load_idx %arg11[%add3A_298, %broadcast_in_dim3A_312] : memref<512x32xf32, #tpu.memory_space<vmem>>[vector<16xi32>, vector<16xi32>], vector<16xf32>,
      %gather3A_314 = tpu.vector_load_idx %arg12[%add3A_298, %broadcast_in_dim3A_312] : memref<512x32xf32, #tpu.memory_space<vmem>>[vector<16xi32>, vector<16xi32>], vector<16xf32>,
      %mul3A_315 = arith.mulf %gather3A_313, %gather3A_314 : vector<16xf32>
      %add3A_316 = arith.addf %add3A_310, %mul3A_315 : vector<16xf32>
      %broadcast_in_dim3A_317 = arith.constant 3 : i32
      %broadcast_in_dim3A_318 = vector.broadcast %broadcast_in_dim3A_317 : i32 to vector<16xi32>
      %gather3A_319 = tpu.vector_load_idx %arg11[%add3A_298, %broadcast_in_dim3A_318] : memref<512x32xf32, #tpu.memory_space<vmem>>[vector<16xi32>, vector<16xi32>], vector<16xf32>,
      %gather3A_320 = tpu.vector_load_idx %arg12[%add3A_298, %broadcast_in_dim3A_318] : memref<512x32xf32, #tpu.memory_space<vmem>>[vector<16xi32>, vector<16xi32>], vector<16xf32>,
      %mul3A_321 = arith.mulf %gather3A_319, %gather3A_320 : vector<16xf32>
      %add3A_322 = arith.addf %add3A_316, %mul3A_321 : vector<16xf32>
      %broadcast_in_dim3A_323 = arith.constant 4 : i32
      %broadcast_in_dim3A_324 = vector.broadcast %broadcast_in_dim3A_323 : i32 to vector<16xi32>
      %gather3A_325 = tpu.vector_load_idx %arg11[%add3A_298, %broadcast_in_dim3A_324] : memref<512x32xf32, #tpu.memory_space<vmem>>[vector<16xi32>, vector<16xi32>], vector<16xf32>,
      %gather3A_326 = tpu.vector_load_idx %arg12[%add3A_298, %broadcast_in_dim3A_324] : memref<512x32xf32, #tpu.memory_space<vmem>>[vector<16xi32>, vector<16xi32>], vector<16xf32>,
      %mul3A_327 = arith.mulf %gather3A_325, %gather3A_326 : vector<16xf32>
      %add3A_328 = arith.addf %add3A_322, %mul3A_327 : vector<16xf32>
      %broadcast_in_dim3A_329 = arith.constant 5 : i32
      %broadcast_in_dim3A_330 = vector.broadcast %broadcast_in_dim3A_329 : i32 to vector<16xi32>
      %gather3A_331 = tpu.vector_load_idx %arg11[%add3A_298, %broadcast_in_dim3A_330] : memref<512x32xf32, #tpu.memory_space<vmem>>[vector<16xi32>, vector<16xi32>], vector<16xf32>,
      %gather3A_332 = tpu.vector_load_idx %arg12[%add3A_298, %broadcast_in_dim3A_330] : memref<512x32xf32, #tpu.memory_space<vmem>>[vector<16xi32>, vector<16xi32>], vector<16xf32>,
      %mul3A_333 = arith.mulf %gather3A_331, %gather3A_332 : vector<16xf32>
      %add3A_334 = arith.addf %add3A_328, %mul3A_333 : vector<16xf32>
      %broadcast_in_dim3A_335 = arith.constant 6 : i32
      %broadcast_in_dim3A_336 = vector.broadcast %broadcast_in_dim3A_335 : i32 to vector<16xi32>
      %gather3A_337 = tpu.vector_load_idx %arg11[%add3A_298, %broadcast_in_dim3A_336] : memref<512x32xf32, #tpu.memory_space<vmem>>[vector<16xi32>, vector<16xi32>], vector<16xf32>,
      %gather3A_338 = tpu.vector_load_idx %arg12[%add3A_298, %broadcast_in_dim3A_336] : memref<512x32xf32, #tpu.memory_space<vmem>>[vector<16xi32>, vector<16xi32>], vector<16xf32>,
      %mul3A_339 = arith.mulf %gather3A_337, %gather3A_338 : vector<16xf32>
      %add3A_340 = arith.addf %add3A_334, %mul3A_339 : vector<16xf32>
      %broadcast_in_dim3A_341 = arith.constant 7 : i32
      %broadcast_in_dim3A_342 = vector.broadcast %broadcast_in_dim3A_341 : i32 to vector<16xi32>
      %gather3A_343 = tpu.vector_load_idx %arg11[%add3A_298, %broadcast_in_dim3A_342] : memref<512x32xf32, #tpu.memory_space<vmem>>[vector<16xi32>, vector<16xi32>], vector<16xf32>,
      %gather3A_344 = tpu.vector_load_idx %arg12[%add3A_298, %broadcast_in_dim3A_342] : memref<512x32xf32, #tpu.memory_space<vmem>>[vector<16xi32>, vector<16xi32>], vector<16xf32>,
      %mul3A_345 = arith.mulf %gather3A_343, %gather3A_344 : vector<16xf32>
      %add3A_346 = arith.addf %add3A_340, %mul3A_345 : vector<16xf32>
      %broadcast_in_dim3A_347 = arith.constant 8 : i32
      %broadcast_in_dim3A_348 = vector.broadcast %broadcast_in_dim3A_347 : i32 to vector<16xi32>
      %gather3A_349 = tpu.vector_load_idx %arg11[%add3A_298, %broadcast_in_dim3A_348] : memref<512x32xf32, #tpu.memory_space<vmem>>[vector<16xi32>, vector<16xi32>], vector<16xf32>,
      %gather3A_350 = tpu.vector_load_idx %arg12[%add3A_298, %broadcast_in_dim3A_348] : memref<512x32xf32, #tpu.memory_space<vmem>>[vector<16xi32>, vector<16xi32>], vector<16xf32>,
      %mul3A_351 = arith.mulf %gather3A_349, %gather3A_350 : vector<16xf32>
      %add3A_352 = arith.addf %add3A_346, %mul3A_351 : vector<16xf32>
      %broadcast_in_dim3A_353 = arith.constant 9 : i32
      %broadcast_in_dim3A_354 = vector.broadcast %broadcast_in_dim3A_353 : i32 to vector<16xi32>
      %gather3A_355 = tpu.vector_load_idx %arg11[%add3A_298, %broadcast_in_dim3A_354] : memref<512x32xf32, #tpu.memory_space<vmem>>[vector<16xi32>, vector<16xi32>], vector<16xf32>,
      %gather3A_356 = tpu.vector_load_idx %arg12[%add3A_298, %broadcast_in_dim3A_354] : memref<512x32xf32, #tpu.memory_space<vmem>>[vector<16xi32>, vector<16xi32>], vector<16xf32>,
      %mul3A_357 = arith.mulf %gather3A_355, %gather3A_356 : vector<16xf32>
      %add3A_358 = arith.addf %add3A_352, %mul3A_357 : vector<16xf32>
      %broadcast_in_dim3A_359 = arith.constant 10 : i32
      %broadcast_in_dim3A_360 = vector.broadcast %broadcast_in_dim3A_359 : i32 to vector<16xi32>
      %gather3A_361 = tpu.vector_load_idx %arg11[%add3A_298, %broadcast_in_dim3A_360] : memref<512x32xf32, #tpu.memory_space<vmem>>[vector<16xi32>, vector<16xi32>], vector<16xf32>,
      %gather3A_362 = tpu.vector_load_idx %arg12[%add3A_298, %broadcast_in_dim3A_360] : memref<512x32xf32, #tpu.memory_space<vmem>>[vector<16xi32>, vector<16xi32>], vector<16xf32>,
      %mul3A_363 = arith.mulf %gather3A_361, %gather3A_362 : vector<16xf32>
      %add3A_364 = arith.addf %add3A_358, %mul3A_363 : vector<16xf32>
      %broadcast_in_dim3A_365 = arith.constant 11 : i32
      %broadcast_in_dim3A_366 = vector.broadcast %broadcast_in_dim3A_365 : i32 to vector<16xi32>
      %gather3A_367 = tpu.vector_load_idx %arg11[%add3A_298, %broadcast_in_dim3A_366] : memref<512x32xf32, #tpu.memory_space<vmem>>[vector<16xi32>, vector<16xi32>], vector<16xf32>,
      %gather3A_368 = tpu.vector_load_idx %arg12[%add3A_298, %broadcast_in_dim3A_366] : memref<512x32xf32, #tpu.memory_space<vmem>>[vector<16xi32>, vector<16xi32>], vector<16xf32>,
      %mul3A_369 = arith.mulf %gather3A_367, %gather3A_368 : vector<16xf32>
      %add3A_370 = arith.addf %add3A_364, %mul3A_369 : vector<16xf32>
      %broadcast_in_dim3A_371 = arith.constant 12 : i32
      %broadcast_in_dim3A_372 = vector.broadcast %broadcast_in_dim3A_371 : i32 to vector<16xi32>
      %gather3A_373 = tpu.vector_load_idx %arg11[%add3A_298, %broadcast_in_dim3A_372] : memref<512x32xf32, #tpu.memory_space<vmem>>[vector<16xi32>, vector<16xi32>], vector<16xf32>,
      %gather3A_374 = tpu.vector_load_idx %arg12[%add3A_298, %broadcast_in_dim3A_372] : memref<512x32xf32, #tpu.memory_space<vmem>>[vector<16xi32>, vector<16xi32>], vector<16xf32>,
      %mul3A_375 = arith.mulf %gather3A_373, %gather3A_374 : vector<16xf32>
      %add3A_376 = arith.addf %add3A_370, %mul3A_375 : vector<16xf32>
      %broadcast_in_dim3A_377 = arith.constant 13 : i32
      %broadcast_in_dim3A_378 = vector.broadcast %broadcast_in_dim3A_377 : i32 to vector<16xi32>
      %gather3A_379 = tpu.vector_load_idx %arg11[%add3A_298, %broadcast_in_dim3A_378] : memref<512x32xf32, #tpu.memory_space<vmem>>[vector<16xi32>, vector<16xi32>], vector<16xf32>,
      %gather3A_380 = tpu.vector_load_idx %arg12[%add3A_298, %broadcast_in_dim3A_378] : memref<512x32xf32, #tpu.memory_space<vmem>>[vector<16xi32>, vector<16xi32>], vector<16xf32>,
      %mul3A_381 = arith.mulf %gather3A_379, %gather3A_380 : vector<16xf32>
      %add3A_382 = arith.addf %add3A_376, %mul3A_381 : vector<16xf32>
      %broadcast_in_dim3A_383 = arith.constant 14 : i32
      %broadcast_in_dim3A_384 = vector.broadcast %broadcast_in_dim3A_383 : i32 to vector<16xi32>
      %gather3A_385 = tpu.vector_load_idx %arg11[%add3A_298, %broadcast_in_dim3A_384] : memref<512x32xf32, #tpu.memory_space<vmem>>[vector<16xi32>, vector<16xi32>], vector<16xf32>,
      %gather3A_386 = tpu.vector_load_idx %arg12[%add3A_298, %broadcast_in_dim3A_384] : memref<512x32xf32, #tpu.memory_space<vmem>>[vector<16xi32>, vector<16xi32>], vector<16xf32>,
      %mul3A_387 = arith.mulf %gather3A_385, %gather3A_386 : vector<16xf32>
      %add3A_388 = arith.addf %add3A_382, %mul3A_387 : vector<16xf32>
      %broadcast_in_dim3A_389 = arith.constant 15 : i32
      %broadcast_in_dim3A_390 = vector.broadcast %broadcast_in_dim3A_389 : i32 to vector<16xi32>
      %gather3A_391 = tpu.vector_load_idx %arg11[%add3A_298, %broadcast_in_dim3A_390] : memref<512x32xf32, #tpu.memory_space<vmem>>[vector<16xi32>, vector<16xi32>], vector<16xf32>,
      %gather3A_392 = tpu.vector_load_idx %arg12[%add3A_298, %broadcast_in_dim3A_390] : memref<512x32xf32, #tpu.memory_space<vmem>>[vector<16xi32>, vector<16xi32>], vector<16xf32>,
      %mul3A_393 = arith.mulf %gather3A_391, %gather3A_392 : vector<16xf32>
      %add3A_394 = arith.addf %add3A_388, %mul3A_393 : vector<16xf32>
      %broadcast_in_dim3A_395 = arith.constant 16 : i32
      %broadcast_in_dim3A_396 = vector.broadcast %broadcast_in_dim3A_395 : i32 to vector<16xi32>
      %gather3A_397 = tpu.vector_load_idx %arg11[%add3A_298, %broadcast_in_dim3A_396] : memref<512x32xf32, #tpu.memory_space<vmem>>[vector<16xi32>, vector<16xi32>], vector<16xf32>,
      %gather3A_398 = tpu.vector_load_idx %arg12[%add3A_298, %broadcast_in_dim3A_396] : memref<512x32xf32, #tpu.memory_space<vmem>>[vector<16xi32>, vector<16xi32>], vector<16xf32>,
      %mul3A_399 = arith.mulf %gather3A_397, %gather3A_398 : vector<16xf32>
      %add3A_400 = arith.addf %add3A_394, %mul3A_399 : vector<16xf32>
      %broadcast_in_dim3A_401 = arith.constant 17 : i32
      %broadcast_in_dim3A_402 = vector.broadcast %broadcast_in_dim3A_401 : i32 to vector<16xi32>
      %gather3A_403 = tpu.vector_load_idx %arg11[%add3A_298, %broadcast_in_dim3A_402] : memref<512x32xf32, #tpu.memory_space<vmem>>[vector<16xi32>, vector<16xi32>], vector<16xf32>,
      %gather3A_404 = tpu.vector_load_idx %arg12[%add3A_298, %broadcast_in_dim3A_402] : memref<512x32xf32, #tpu.memory_space<vmem>>[vector<16xi32>, vector<16xi32>], vector<16xf32>,
      %mul3A_405 = arith.mulf %gather3A_403, %gather3A_404 : vector<16xf32>
      %add3A_406 = arith.addf %add3A_400, %mul3A_405 : vector<16xf32>
      %broadcast_in_dim3A_407 = arith.constant 18 : i32
      %broadcast_in_dim3A_408 = vector.broadcast %broadcast_in_dim3A_407 : i32 to vector<16xi32>
      %gather3A_409 = tpu.vector_load_idx %arg11[%add3A_298, %broadcast_in_dim3A_408] : memref<512x32xf32, #tpu.memory_space<vmem>>[vector<16xi32>, vector<16xi32>], vector<16xf32>,
      %gather3A_410 = tpu.vector_load_idx %arg12[%add3A_298, %broadcast_in_dim3A_408] : memref<512x32xf32, #tpu.memory_space<vmem>>[vector<16xi32>, vector<16xi32>], vector<16xf32>,
      %mul3A_411 = arith.mulf %gather3A_409, %gather3A_410 : vector<16xf32>
      %add3A_412 = arith.addf %add3A_406, %mul3A_411 : vector<16xf32>
      %broadcast_in_dim3A_413 = arith.constant 19 : i32
      %broadcast_in_dim3A_414 = vector.broadcast %broadcast_in_dim3A_413 : i32 to vector<16xi32>
      %gather3A_415 = tpu.vector_load_idx %arg11[%add3A_298, %broadcast_in_dim3A_414] : memref<512x32xf32, #tpu.memory_space<vmem>>[vector<16xi32>, vector<16xi32>], vector<16xf32>,
      %gather3A_416 = tpu.vector_load_idx %arg12[%add3A_298, %broadcast_in_dim3A_414] : memref<512x32xf32, #tpu.memory_space<vmem>>[vector<16xi32>, vector<16xi32>], vector<16xf32>,
      %mul3A_417 = arith.mulf %gather3A_415, %gather3A_416 : vector<16xf32>
      %add3A_418 = arith.addf %add3A_412, %mul3A_417 : vector<16xf32>
      %broadcast_in_dim3A_419 = arith.constant 20 : i32
      %broadcast_in_dim3A_420 = vector.broadcast %broadcast_in_dim3A_419 : i32 to vector<16xi32>
      %gather3A_421 = tpu.vector_load_idx %arg11[%add3A_298, %broadcast_in_dim3A_420] : memref<512x32xf32, #tpu.memory_space<vmem>>[vector<16xi32>, vector<16xi32>], vector<16xf32>,
      %gather3A_422 = tpu.vector_load_idx %arg12[%add3A_298, %broadcast_in_dim3A_420] : memref<512x32xf32, #tpu.memory_space<vmem>>[vector<16xi32>, vector<16xi32>], vector<16xf32>,
      %mul3A_423 = arith.mulf %gather3A_421, %gather3A_422 : vector<16xf32>
      %add3A_424 = arith.addf %add3A_418, %mul3A_423 : vector<16xf32>
      %broadcast_in_dim3A_425 = arith.constant 21 : i32
      %broadcast_in_dim3A_426 = vector.broadcast %broadcast_in_dim3A_425 : i32 to vector<16xi32>
      %gather3A_427 = tpu.vector_load_idx %arg11[%add3A_298, %broadcast_in_dim3A_426] : memref<512x32xf32, #tpu.memory_space<vmem>>[vector<16xi32>, vector<16xi32>], vector<16xf32>,
      %gather3A_428 = tpu.vector_load_idx %arg12[%add3A_298, %broadcast_in_dim3A_426] : memref<512x32xf32, #tpu.memory_space<vmem>>[vector<16xi32>, vector<16xi32>], vector<16xf32>,
      %mul3A_429 = arith.mulf %gather3A_427, %gather3A_428 : vector<16xf32>
      %add3A_430 = arith.addf %add3A_424, %mul3A_429 : vector<16xf32>
      %broadcast_in_dim3A_431 = arith.constant 22 : i32
      %broadcast_in_dim3A_432 = vector.broadcast %broadcast_in_dim3A_431 : i32 to vector<16xi32>
      %gather3A_433 = tpu.vector_load_idx %arg11[%add3A_298, %broadcast_in_dim3A_432] : memref<512x32xf32, #tpu.memory_space<vmem>>[vector<16xi32>, vector<16xi32>], vector<16xf32>,
      %gather3A_434 = tpu.vector_load_idx %arg12[%add3A_298, %broadcast_in_dim3A_432] : memref<512x32xf32, #tpu.memory_space<vmem>>[vector<16xi32>, vector<16xi32>], vector<16xf32>,
      %mul3A_435 = arith.mulf %gather3A_433, %gather3A_434 : vector<16xf32>
      %add3A_436 = arith.addf %add3A_430, %mul3A_435 : vector<16xf32>
      %broadcast_in_dim3A_437 = arith.constant 23 : i32
      %broadcast_in_dim3A_438 = vector.broadcast %broadcast_in_dim3A_437 : i32 to vector<16xi32>
      %gather3A_439 = tpu.vector_load_idx %arg11[%add3A_298, %broadcast_in_dim3A_438] : memref<512x32xf32, #tpu.memory_space<vmem>>[vector<16xi32>, vector<16xi32>], vector<16xf32>,
      %gather3A_440 = tpu.vector_load_idx %arg12[%add3A_298, %broadcast_in_dim3A_438] : memref<512x32xf32, #tpu.memory_space<vmem>>[vector<16xi32>, vector<16xi32>], vector<16xf32>,
      %mul3A_441 = arith.mulf %gather3A_439, %gather3A_440 : vector<16xf32>
      %add3A_442 = arith.addf %add3A_436, %mul3A_441 : vector<16xf32>
      %broadcast_in_dim3A_443 = arith.constant 24 : i32
      %broadcast_in_dim3A_444 = vector.broadcast %broadcast_in_dim3A_443 : i32 to vector<16xi32>
      %gather3A_445 = tpu.vector_load_idx %arg11[%add3A_298, %broadcast_in_dim3A_444] : memref<512x32xf32, #tpu.memory_space<vmem>>[vector<16xi32>, vector<16xi32>], vector<16xf32>,
      %gather3A_446 = tpu.vector_load_idx %arg12[%add3A_298, %broadcast_in_dim3A_444] : memref<512x32xf32, #tpu.memory_space<vmem>>[vector<16xi32>, vector<16xi32>], vector<16xf32>,
      %mul3A_447 = arith.mulf %gather3A_445, %gather3A_446 : vector<16xf32>
      %add3A_448 = arith.addf %add3A_442, %mul3A_447 : vector<16xf32>
      %broadcast_in_dim3A_449 = arith.constant 25 : i32
      %broadcast_in_dim3A_450 = vector.broadcast %broadcast_in_dim3A_449 : i32 to vector<16xi32>
      %gather3A_451 = tpu.vector_load_idx %arg11[%add3A_298, %broadcast_in_dim3A_450] : memref<512x32xf32, #tpu.memory_space<vmem>>[vector<16xi32>, vector<16xi32>], vector<16xf32>,
      %gather3A_452 = tpu.vector_load_idx %arg12[%add3A_298, %broadcast_in_dim3A_450] : memref<512x32xf32, #tpu.memory_space<vmem>>[vector<16xi32>, vector<16xi32>], vector<16xf32>,
      %mul3A_453 = arith.mulf %gather3A_451, %gather3A_452 : vector<16xf32>
      %add3A_454 = arith.addf %add3A_448, %mul3A_453 : vector<16xf32>
      %broadcast_in_dim3A_455 = arith.constant 26 : i32
      %broadcast_in_dim3A_456 = vector.broadcast %broadcast_in_dim3A_455 : i32 to vector<16xi32>
      %gather3A_457 = tpu.vector_load_idx %arg11[%add3A_298, %broadcast_in_dim3A_456] : memref<512x32xf32, #tpu.memory_space<vmem>>[vector<16xi32>, vector<16xi32>], vector<16xf32>,
      %gather3A_458 = tpu.vector_load_idx %arg12[%add3A_298, %broadcast_in_dim3A_456] : memref<512x32xf32, #tpu.memory_space<vmem>>[vector<16xi32>, vector<16xi32>], vector<16xf32>,
      %mul3A_459 = arith.mulf %gather3A_457, %gather3A_458 : vector<16xf32>
      %add3A_460 = arith.addf %add3A_454, %mul3A_459 : vector<16xf32>
      %broadcast_in_dim3A_461 = arith.constant 27 : i32
      %broadcast_in_dim3A_462 = vector.broadcast %broadcast_in_dim3A_461 : i32 to vector<16xi32>
      %gather3A_463 = tpu.vector_load_idx %arg11[%add3A_298, %broadcast_in_dim3A_462] : memref<512x32xf32, #tpu.memory_space<vmem>>[vector<16xi32>, vector<16xi32>], vector<16xf32>,
      %gather3A_464 = tpu.vector_load_idx %arg12[%add3A_298, %broadcast_in_dim3A_462] : memref<512x32xf32, #tpu.memory_space<vmem>>[vector<16xi32>, vector<16xi32>], vector<16xf32>,
      %mul3A_465 = arith.mulf %gather3A_463, %gather3A_464 : vector<16xf32>
      %add3A_466 = arith.addf %add3A_460, %mul3A_465 : vector<16xf32>
      %broadcast_in_dim3A_467 = arith.constant 28 : i32
      %broadcast_in_dim3A_468 = vector.broadcast %broadcast_in_dim3A_467 : i32 to vector<16xi32>
      %gather3A_469 = tpu.vector_load_idx %arg11[%add3A_298, %broadcast_in_dim3A_468] : memref<512x32xf32, #tpu.memory_space<vmem>>[vector<16xi32>, vector<16xi32>], vector<16xf32>,
      %gather3A_470 = tpu.vector_load_idx %arg12[%add3A_298, %broadcast_in_dim3A_468] : memref<512x32xf32, #tpu.memory_space<vmem>>[vector<16xi32>, vector<16xi32>], vector<16xf32>,
      %mul3A_471 = arith.mulf %gather3A_469, %gather3A_470 : vector<16xf32>
      %add3A_472 = arith.addf %add3A_466, %mul3A_471 : vector<16xf32>
      %broadcast_in_dim3A_473 = arith.constant 29 : i32
      %broadcast_in_dim3A_474 = vector.broadcast %broadcast_in_dim3A_473 : i32 to vector<16xi32>
      %gather3A_475 = tpu.vector_load_idx %arg11[%add3A_298, %broadcast_in_dim3A_474] : memref<512x32xf32, #tpu.memory_space<vmem>>[vector<16xi32>, vector<16xi32>], vector<16xf32>,
      %gather3A_476 = tpu.vector_load_idx %arg12[%add3A_298, %broadcast_in_dim3A_474] : memref<512x32xf32, #tpu.memory_space<vmem>>[vector<16xi32>, vector<16xi32>], vector<16xf32>,
      %mul3A_477 = arith.mulf %gather3A_475, %gather3A_476 : vector<16xf32>
      %add3A_478 = arith.addf %add3A_472, %mul3A_477 : vector<16xf32>
      %broadcast_in_dim3A_479 = arith.constant 30 : i32
      %broadcast_in_dim3A_480 = vector.broadcast %broadcast_in_dim3A_479 : i32 to vector<16xi32>
      %gather3A_481 = tpu.vector_load_idx %arg11[%add3A_298, %broadcast_in_dim3A_480] : memref<512x32xf32, #tpu.memory_space<vmem>>[vector<16xi32>, vector<16xi32>], vector<16xf32>,
      %gather3A_482 = tpu.vector_load_idx %arg12[%add3A_298, %broadcast_in_dim3A_480] : memref<512x32xf32, #tpu.memory_space<vmem>>[vector<16xi32>, vector<16xi32>], vector<16xf32>,
      %mul3A_483 = arith.mulf %gather3A_481, %gather3A_482 : vector<16xf32>
      %add3A_484 = arith.addf %add3A_478, %mul3A_483 : vector<16xf32>
      %broadcast_in_dim3A_485 = arith.constant 31 : i32
      %broadcast_in_dim3A_486 = vector.broadcast %broadcast_in_dim3A_485 : i32 to vector<16xi32>
      %gather3A_487 = tpu.vector_load_idx %arg11[%add3A_298, %broadcast_in_dim3A_486] : memref<512x32xf32, #tpu.memory_space<vmem>>[vector<16xi32>, vector<16xi32>], vector<16xf32>,
      %gather3A_488 = tpu.vector_load_idx %arg12[%add3A_298, %broadcast_in_dim3A_486] : memref<512x32xf32, #tpu.memory_space<vmem>>[vector<16xi32>, vector<16xi32>], vector<16xf32>,
      %mul3A_489 = arith.mulf %gather3A_487, %gather3A_488 : vector<16xf32>
      %add3A_490 = arith.addf %add3A_484, %mul3A_489 : vector<16xf32>
      %mul3A_491 = arith.constant 16 : i32
      %mul3A_492 = arith.muli %scan3A_294, %mul3A_491 : i32
      %get3A = arith.index_cast %mul3A_492 : i32 to index
      %get3A_493 = tpu.vector_load %arg13[%get3A] {strides = array<i32>} : memref<512xf32, #tpu.memory_space<vmem>>, vector<16xf32>,
      %mul3A_494 = arith.constant 16 : i32
      %mul3A_495 = arith.muli %scan3A_294, %mul3A_494 : i32
      %get3A_496 = arith.index_cast %mul3A_495 : i32 to index
      %get3A_497 = tpu.vector_load %arg14[%get3A_496] {strides = array<i32>} : memref<512xf32, #tpu.memory_space<vmem>>, vector<16xf32>,
      %add3A_498 = arith.addf %add3A_490, %get3A_493 : vector<16xf32>
      %add3A_499 = arith.addf %add3A_498, %get3A_497 : vector<16xf32>
      %neg3A = arith.constant 0.000000e+00 : f32
      %neg3A_500 = vector.broadcast %neg3A : f32 to vector<16xf32>
      %neg3A_501 = arith.subf %neg3A_500, %add3A_499 : vector<16xf32>
      %exp3A = math.exp %neg3A_501 : vector<16xf32>
      %add3A_502 = arith.constant 1.000000e+00 : f32
      %add3A_503 = vector.broadcast %add3A_502 : f32 to vector<16xf32>
      %add3A_504 = arith.addf %add3A_503, %exp3A : vector<16xf32>
      %div3A = arith.constant 1.000000e+00 : f32
      %div3A_505 = vector.broadcast %div3A : f32 to vector<16xf32>
      %div3A_506 = arith.divf %div3A_505, %add3A_504 : vector<16xf32>
      %mul3A_507 = arith.constant 16 : i32
      %mul3A_508 = arith.muli %scan3A_294, %mul3A_507 : i32
      %swap3A = arith.index_cast %mul3A_508 : i32 to index
      %swap3A_509 = tpu.vector_load %arg15[%swap3A] {strides = array<i32>} : memref<512xf32, #tpu.memory_space<vmem>>, vector<16xf32>,
      tpu.vector_store %arg15[%swap3A], %div3A_506 {strides = array<i32>} : memref<512xf32, #tpu.memory_space<vmem>>, vector<16xf32>,
    }
    %scan3A_291 = arith.constant 32 : i32
    %mul3A_292 = arith.constant 512 : i32
    %mul3A_293 = arith.muli %add3A, %mul3A_292 : i32
    "tpu.region"() ({
      %run_scoped3A = tpu.sem_alloc : memref<!tpu.dma_semaphore, #tpu.memory_space<semaphore_mem>>
      %dma_start3A_294 = tpu.memref_slice %arg8[%mul3A_293] : memref<16384xf32, #tpu.memory_space<hbm>> -> memref<512xf32, #tpu.memory_space<hbm>>
      %dma_start3A_295 = tpu.memref_slice %arg8[%mul3A_293] : memref<16384xf32, #tpu.memory_space<hbm>> -> memref<512xf32, #tpu.memory_space<hbm>>
      tpu.enqueue_dma source(%arg15 : memref<512xf32, #tpu.memory_space<vmem>>) target(%dma_start3A_295 : memref<512xf32, #tpu.memory_space<hbm>>) target_semaphore(%run_scoped3A : memref<!tpu.dma_semaphore, #tpu.memory_space<semaphore_mem>>)
      %dma_wait3A_296 = tpu.memref_slice %arg8[%mul3A_293] : memref<16384xf32, #tpu.memory_space<hbm>> -> memref<512xf32, #tpu.memory_space<hbm>>
      %dma_wait3A_297 = tpu.memref_slice %arg8[%mul3A_293] : memref<16384xf32, #tpu.memory_space<hbm>> -> memref<512xf32, #tpu.memory_space<hbm>>
      tpu.wait_dma2 semaphore(%run_scoped3A : memref<!tpu.dma_semaphore, #tpu.memory_space<semaphore_mem>>) src(%arg15 : memref<512xf32, #tpu.memory_space<vmem>>) dst(%dma_wait3A_297 : memref<512xf32, #tpu.memory_space<hbm>>)
      tpu.yield
    }) : () -> ()
    return
  }
}

</mosaic_0001>

<sc_bundles>
// kernel: _mf_call.3.cloned.1.call-start
scs
__scs_entry_jumppad:
0x0: {  	(pc) =	sbr.rel $0x88, $3  }
0x1: {  	(tag) =	ssettag $0x0;
	lr =	simm.s32 $0x1  }
0x2: {  	[smem:$0x3F9B] =	sst lr;
	_ =	strace $0xD0000000  }
0x3: {  	_ = 	snop  }
0x4: {  	_ = 	snop  }
0x5: {  	_ = 	snop  }
0x6: {  	_ = 	snop  }
0x7: {  	_ = 	snop  }
__scs_overlays_trampoline_lowered:
0x8: {  	[smem:$0x3FAA] =	sst s0  }
0x9: {  	[smem:$0x3FAB] =	sst s1  }
0xa: {  	[smem:$0x3FAC] =	sst s2  }
0xb: {  	[smem:$0x3FAD] =	sst s3  }
0xc: {  	[smem:$0x3FAE] =	sst s4  }
0xd: {  	[smem:$0x3FAF] =	sst s5  }
0xe: {  	[smem:$0x3FB0] =	sst s6  }
0xf: {  	[smem:$0x3FB1] =	sst s7  }
0x10: {  	[smem:$0x3FB2] =	sst s8  }
0x11: {  	[smem:$0x3FB3] =	sst s9;
	s0 =	simm.s32 @!p0 $0x0  }
0x12: {  	s1 =	sld [smem:$0x3F99];
	s0 =	simm.s32 @p0 $0x1  }
0x13: {  	[smem:$0x3FB4] =	sst s0;
	s0 =	simm.s32 @!p1 $0x0  }
0x14: {  	s2 =	sld [smem:$0x3F98];
	s0 =	simm.s32 @p1 $0x1  }
0x15: {  	[smem:$0x3FB5] =	sst s0;
	s0 =	simm.s32 @!p2 $0x0  }
0x16: {  	s3 =	sld [smem:$0x3FDB];
	s0 =	simm.s32 @p2 $0x1  }
0x17: {  	s4 =	simm.s32 $0x1BF5;
	[smem:$0x3FB7] =	sst s0  }
0x18: {  	s0 =	sld [smem:$0x3F9A];
	_ =	swait.ge [sflag:s4], $0x0  }
0x19: {  	s7 =	sld [smem:$0x3F9B]  }
0x1a: {  	s8 =	sadd.s32 $0xFFFFE003, lr  }
0x1b: {  	s9 =	sadd.s32 $0xFFFFFEF7, lr;
	s5 =	simm.s32 $0xFFFFFFFF;
	p2 =	slt.u32 s8, $0xFFFFF086  }
0x1c: {  	p1 =	slt.u32 s9, $0xF7A;
	s5 =	simm.s32 @!p2 $0x0  }
0x1d: {  	s5 =	simm.s32 @p1 $0x1;
	p0 =	seq.s32 s7, s2  }
0x1e: {  	s7 =	smul.u32 @!p0 $0xF7A, s2;
	p2 =	seq.s32 @!p0 s5, $0x0  }
0x1f: {  	s9 =	smul.u32 $0xF7A, s1;
	s8 =	simm.s32 @!p0 $0x1BF5;
	p2 =	por !p2, p0  }
0x20: {  	[sflag:s8] =	ssyncset.s32 @!p0 $0xFFFFF086;
	s6 =	sadd.s32 @!p0 s3, s7;
	s7 =	simm.s32 @!p0 $0x108  }
0x21: {  	s3 =	sadd.s32 s3, s9;
	s6 =	sadd.s32 @!p0 $0x88, s6;
	s7 =	simm.s32 @p2 $0x1082  }
0x22: {  	[simem:s7], [sflag:s8] =	dma.local @!p0 [hbm:s6], $0xF7A  }
0x23: {  	s9 =	sor.u32 $0xD0000000, s2;
	s6 =	simm.s32 $0x108;
	_ =	swait.ge @!p0 [sflag:s8], $0x0  }
0x24: {  	s3 =	sadd.s32 $0x88, s3;
	s6 =	simm.s32 @!p1 $0x1082;
	[sflag:s4] =	ssyncset.s32 $0xFFFFF086  }
0x25: {  	[simem:s6], [sflag:s4] =	dma.local [hbm:s3], $0xF7A  }
0x26: {  	[smem:$0x3F9B] =	sst s1;
	(tag) =	ssettag s2;
	_ =	strace s9  }
0x27: {  	s1 =	sld [smem:$0x3FAB]  }
0x28: {  	s2 =	sld [smem:$0x3FAC]  }
0x29: {  	s4 =	sld [smem:$0x3FAE]  }
0x2a: {  	p0 =	seq.s32 s5, $0x0;
	s5 =	sld [smem:$0x3FAF]  }
0x2b: {  	s6 =	sld [smem:$0x3FB0]  }
0x2c: {  	s7 =	sld [smem:$0x3FB1]  }
0x2d: {  	s3 =	simm.s32 $0x108;
	s8 =	sld [smem:$0x3FB2]  }
0x2e: {  	s3 =	simm.s32 @!p0 $0x1082;
	s9 =	sld [smem:$0x3FB3]  }
0x2f: {  	lr =	sadd.s32 s0, s3;
	s0 =	sld [smem:$0x3FAA]  }
0x30: {  	s3 =	sld [smem:$0x3FAD]  }
0x31: {  	[smem:$0x3FB6] =	sst s10  }
0x32: {  	s10 =	sld [smem:$0x3FB4];
	_ =	sdelay $0x3  }
0x33: {  	p0 =	seq.s32 s10, $0x1;
	s10 =	sld [smem:$0x3FB6];
	_ =	sdelay $0x3  }
0x34: {  	[smem:$0x3FB6] =	sst s10  }
0x35: {  	s10 =	sld [smem:$0x3FB5];
	_ =	sdelay $0x3  }
0x36: {  	p1 =	seq.s32 s10, $0x1;
	s10 =	sld [smem:$0x3FB6];
	_ =	sdelay $0x3  }
0x37: {  	[smem:$0x3FB6] =	sst s10  }
0x38: {  	s10 =	sld [smem:$0x3FB7]  }
0x39: {  	_ = 	snop;
	(pc) =	sbr.ind lr, $3  }
0x3a: {  	_ = 	snop  }
0x3b: {  	_ = 	snop  }
0x3c: {  	p2 =	seq.s32 s10, $0x1;
	s10 =	sld [smem:$0x3FB6]  }
0x3d: {  	_ =	shalt  }
0x3e: {  	_ =	shalt  }
0x3f: {  	_ =	shalt  }
0x40: {  	_ =	shalt  }
0x41: {  	_ =	shalt  }
0x42: {  	_ =	shalt  }
0x43: {  	_ =	shalt  }
0x44: {  	_ =	shalt  }
0x45: {  	_ =	shalt  }
0x46: {  	_ =	shalt  }
0x47: {  	_ =	shalt  }
0x48: {  	_ =	shalt  }
0x49: {  	_ =	shalt  }
0x4a: {  	_ =	shalt  }
0x4b: {  	_ =	shalt  }
0x4c: {  	_ =	shalt  }
0x4d: {  	_ =	shalt  }
0x4e: {  	_ =	shalt  }
0x4f: {  	_ =	shalt  }
0x50: {  	_ =	shalt  }
0x51: {  	_ =	shalt  }
0x52: {  	_ =	shalt  }
0x53: {  	_ =	shalt  }
0x54: {  	_ =	shalt  }
0x55: {  	_ =	shalt  }
0x56: {  	_ =	shalt  }
0x57: {  	_ =	shalt  }
0x58: {  	_ =	shalt  }
0x59: {  	_ =	shalt  }
0x5a: {  	_ =	shalt  }
0x5b: {  	_ =	shalt  }
0x5c: {  	_ =	shalt  }
0x5d: {  	_ =	shalt  }
0x5e: {  	_ =	shalt  }
0x5f: {  	_ =	shalt  }
0x60: {  	_ =	shalt  }
0x61: {  	_ =	shalt  }
0x62: {  	_ =	shalt  }
0x63: {  	_ =	shalt  }
0x64: {  	_ =	shalt  }
0x65: {  	_ =	shalt  }
0x66: {  	_ =	shalt  }
0x67: {  	_ =	shalt  }
0x68: {  	_ =	shalt  }
0x69: {  	_ =	shalt  }
0x6a: {  	_ =	shalt  }
0x6b: {  	_ =	shalt  }
0x6c: {  	_ =	shalt  }
0x6d: {  	_ =	shalt  }
0x6e: {  	_ =	shalt  }
0x6f: {  	_ =	shalt  }
0x70: {  	_ =	shalt  }
0x71: {  	_ =	shalt  }
0x72: {  	_ =	shalt  }
0x73: {  	_ =	shalt  }
0x74: {  	_ =	shalt  }
0x75: {  	_ =	shalt  }
0x76: {  	_ =	shalt  }
0x77: {  	_ =	shalt  }
0x78: {  	_ =	shalt  }
0x79: {  	_ =	shalt  }
0x7a: {  	_ =	shalt  }
0x7b: {  	_ =	shalt  }
0x7c: {  	_ =	shalt  }
0x7d: {  	_ =	shalt  }
0x7e: {  	_ =	shalt  }
0x7f: {  	_ =	shalt  }
0x80: {  	_ =	shalt  }
0x81: {  	_ =	shalt  }
0x82: {  	_ =	shalt  }
0x83: {  	_ =	shalt  }
0x84: {  	_ =	shalt  }
0x85: {  	_ =	shalt  }
0x86: {  	_ =	shalt  }
0x87: {  	_ =	shalt  }
.Lfunc_end0:
.L_simem_size_0:
called_computation_lowered:
.L_overlay_start_0:
0x88: {  	s2 =	sld [smem:$0x3FD9]  }
0x89: {  	s3 =	sld [smem:$0x3FFE];
	_ =	sdelay $0x1  }
0x8a: {  	s1 =	srdreg.scid  }
0x8b: {  	s0 =	sand.u32 $0x1, s1  }
0x8c: {  	s17 =	sshll.u32 s0, $0xA;
	s2 =	sadd.s32 s3, s2  }
0x8d: {  	s2 =	sadd.s32 s2, s17  }
0x8e: {  	[smem:$0x3FC2] =	sst s2  }
0x8f: {  	_ = 	snop  }
0x90: {  	s2 =	sld [smem:$0x3FC9]  }
0x91: {  	s18 =	sld [smem:$0x3FC8]  }
0x92: {  	s4 =	sld [smem:$0x3FC5]  }
0x93: {  	s5 =	sld [smem:$0x3FC4]  }
0x94: {  	s6 =	sld [smem:$0x3FD0];
	(tm) =	ssettm $0x1  }
0x95: {  	s7 =	sld [smem:$0x3FFB];
	_ =	sdelay $0x3  }
0x96: {  	_ =	strace s7  }
0x97: {  	s7 =	sld [smem:$0x3FFC];
	_ =	sdelay $0x3  }
0x98: {  	_ =	strace s7  }
0x99: {  	s7 =	sld [smem:$0x3FFD];
	_ =	sdelay $0x3  }
0x9a: {  	_ =	strace s7  }
0x9b: {  	_ =	strace $0x8FFFFFFF  }
0x9c: {  	s19 =	sld [smem:$0x3FDB];
	_ =	sdelay $0x1  }
0x9d: {  	s8 =	simm.s32 $_scs_section_size  }
0x9e: {  	s9 =	simm.s32 $_size__tile_overlayer_lowered;
	s10 =	simm.s32 $_tile_overlayer_lowered  }
0x9f: {  	s22 =	simm.s32 $0x1BFF;
	s21 =	sshll.u32 s10, $0x1;
	s7 =	sadd.s32 s8, s19  }
0xa0: {  	s11 =	simm.s32 $0x0;
	s20 =	sshll.u32 s9, $0x1;
	s9 =	sadd.s32 s21, s7  }
0xa1: {  	[timem:s11], [sflag:s22] =	dma.local [hbm:s9], s20  }
0xa2: {  	_ =	swait.ge [sflag:s22], s20  }
0xa3: {  	s8 =	ssub.s32 $0x0, s20;
	[sflag:s22] =	ssyncset.done $0x0  }
0xa4: {  	[sflag:s22] =	ssyncadd.s32 s8;
	_ =	sdelay $0x1  }
0xa5: {  	s23 =	simm.s32 $0x1B8B  }
0xa6: {  	_ =	swait.ge [sflag:s23], $0x1  }
0xa7: {  	[sflag:s23] =	ssyncset.done $0x0  }
0xa8: {  	s25 =	simm.s32 $0x1B8E;
	s24 =	sld [smem:$0x3FFE];
	[sflag:s23] =	ssyncadd.s32 $0xFFFFFFFF  }
0xa9: {  	s26 =	simm.s32 $execute0_lowered;
	[smem:$0x3FD2] =	sst s25  }
0xaa: {  	s9 =	sshll.u32 s26, $0x1;
	_ =	strace $0x80000046;
	[dreg:$0x1] =	wrdreg $0xFFFFFFFF  }
0xab: {  	s28 =	simm.s32 $_size_execute0_lowered;
	s7 =	sadd.s32 s7, s9;
	[dreg:$0x0] =	wrdreg $0x0  }
0xac: {  	s9 =	sshll.u32 s28, $0x1;
	[dreg:$0x2] =	wrdreg s7  }
0xad: {  	[dreg:$0x3] =	wrdreg s9  }
0xae: {  	[dreg:$0x4] =	wrdreg $0xC0  }
0xaf: {  	_ =	task [dreg:s11], $0x5FFFF  }
0xb0: {  	[dreg:$0x1] =	wrdreg $0xFFFFFFFF  }
0xb1: {  	[dreg:$0x0] =	wrdreg $0x60  }
0xb2: {  	[dreg:$0x2] =	wrdreg s2  }
0xb3: {  	[dreg:$0x3] =	wrdreg s18  }
0xb4: {  	[dreg:$0x4] =	wrdreg s24  }
0xb5: {  	[dreg:$0x5] =	wrdreg s4  }
0xb6: {  	[dreg:$0x6] =	wrdreg s5  }
0xb7: {  	[dreg:$0x7] =	wrdreg s6  }
0xb8: {  	[dreg:$0x8] =	wrdreg $0x9  }
0xb9: {  	_ =	task.clear_ibuf [dreg:s11], $0x9FFFF;
	_ =	strace $0x90000046  }
0xba: {  	s29 =	simm.s32 $0x9;
	_ =	strace $0x80000048  }
0xbb: {  	_ =	swait.ge [sflag:s29], $0x1  }
0xbc: {  	[sflag:s29] =	ssyncadd.s32 $0xFFFFFFFF  }
0xbd: {  	_ =	strace $0x90000048  }
0xbe: {  	_ =	sfence  }
0xbf: {  	s30 =	sld [smem:$0x0];
	_ =	sdelay $0x2  }
0xc0: {  	s31 =	sshll.u32 s1, $0xD;
	s1 =	sshrl.u32 s1, $0x2  }
0xc1: {  	s3 =	sand.u32 $0x4000, s31;
	s1 =	sadd.s32 s1, s30  }
0xc2: {  	s0 =	sor.u32 s3, s0;
	s1 =	sshll.u32 s1, $0x11  }
0xc3: {  	s0 =	sor.u32 s1, s0  }
0xc4: {  	s0 =	sadd.s32 $0x8F2B, s0  }
0xc5: {  	[sflag:s0] =	ssyncadd.remote.s32 $0x1  }
0xc6: {  	_ =	sfence.sel $0xFFFF  }
0xc7: {  	[dreg:$0x0] =	wrdreg $0xFFFFFFFF;
	(pc) =	sbr.abs _section_cstart, $3  }
0xc8: {  	[dreg:$0x1] =	wrdreg $0xFFFFFFFF  }
0xc9: {  	_ =	task.clear_ibuf [dreg:s11], $0x2FFFF;
	_ =	strace $0x9FFFFFFF  }
0xca: {  	(tm) =	ssettm $0x7FFFFFFF  }
0xcb: {  	_ =	shalt  }
tec
execute0_lowered:
.L_overlay_start_1:
0x0: {  	(tag) =	ssettag $0x1  }
0x1: {  	s0 =	rddreg [dreg:$0x0]  }
0x2: {  	s4 =	rddreg [dreg:$0x1]  }
0x3: {  	s6 =	rddreg [dreg:$0x2]  }
0x4: {  	s1 =	rddreg [dreg:$0x3]  }
0x5: {  	s2 =	rddreg [dreg:$0x4]  }
0x6: {  	s9 =	rddreg [dreg:$0x5]  }
0x7: {  	s3 =	simm.s32 $0x0;
	s7 =	srdreg.scid;
	s10 =	stileid.u32  }
0x8: {  	s12 =	simm.s32 $0x200;
	s13 =	simm.s32 $0x80;
	s14 =	simm.s32 $0x400  }
0x9: {  	s15 =	simm.s32 $0x4400;
	s17 =	simm.s32 $0x280;
	s21 =	simm.s32 $0x100  }
0xa: {  	s23 =	simm.s32 $0x300;
	s26 =	simm.s32 $0x8700;
	s28 =	simm.s32 $0x180  }
0xb: {  	s29 =	simm.s32 $0x3400;
	s30 =	simm.s32 $0x380;
	s31 =	simm.s32 $0x7400  }
0xc: {  	s16 =	simm.s32 $0x1;
	s18 =	simm.s32 $0x8800;
	s19 =	simm.s32 $0x0  }
0xd: {  	[smem:$0x7FF] =	sst s3;
	s5 =	sadd.s32 $0xF42800, s6;
	s7 =	sand.u32 $0x1, s7  }
0xe: {  	s10 =	sshll.u32 s10, $0x7;
	s8 =	ssub.s32 $0x2, s7;
	s7 =	sshll.u32 s7, $0x6  }
0xf: {  	s6 =	sadd.s32 $0x1313200, s6;
	s11 =	sshrl.u32 s8, $0x1;
	s10 =	sor.u32 s7, s10  }
0x10: {  	v0 =	vlaneseq.u32;
	_ =	strace $0x80000047;
	s11 =	ssub.s32 s8, s11;
	s7 =	sadd.s32 s0, s10  }
0x11: {  	v0 =	vmul.u32 $0x20, v0;
	s8 =	sadd.s32 s4, s10;
	s9 =	sadd.s32 s9, s10;
	s0 =	simm.s32 $0x8580  }
0x12: {  	s4 =	simm.s32 $0x8780;
	s10 =	smax.u32 s11, $0x1;
	s11 =	simm.s32 $0x2  }
.LBB2_1:
0x13: {  	[tilespmem:s3], [sflag:$0x2] =	stream.linear.gather [hbm4b:s7+s3], $0x200, $0x38;
	[tilespmem:$0x8A00] =	vst v63  }
0x14: {  	_ =	swait.ge [sflag:s11], $0x200  }
0x15: {  	[sflag:s11] =	ssyncset.done $0x0  }
0x16: {  	[sflag:s11] =	ssyncadd.s32 $0xFFFFFE00  }
0x17: {  	[tilespmem:s12], [sflag:$0x2] =	stream.linear.gather [hbm4b:s8+s3], $0x200, $0x38;
	[tilespmem:$0x8A00] =	vst v63  }
0x18: {  	_ =	swait.ge [sflag:s11], $0x200  }
0x19: {  	[sflag:s11] =	ssyncset.done $0x0  }
0x1a: {  	[sflag:s11] =	ssyncadd.s32 $0xFFFFFE00  }
0x1b: {  	[tilespmem:s14], [sflag:$0x1] =	stream.indirect.gather [hbm4b:s5+s13], $0x20, s3, s13, $0xb8;
	[tilespmem:$0x8A00] =	vst v63  }
0x1c: {  	_ = 	snop  }
0x1d: {  	[tilespmem:s15], [sflag:$0x1] =	stream.indirect.gather [hbm4b:s6+s13], $0x20, s12, s13, $0xb8;
	[tilespmem:$0x8A00] =	vst v63  }
0x1e: {  	s22 =	simm.s32 $0x8400  }
0x1f: {  	[tilespmem:s22], [sflag:$0x1] =	stream.indirect.gather [hbm4b:s1+s13], $0x1, s3, s13, $0xb8;
	[tilespmem:$0x8A00] =	vst v63  }
0x20: {  	s20 =	simm.s32 $0x8600  }
0x21: {  	[tilespmem:s20], [sflag:$0x1] =	stream.indirect.gather [hbm4b:s2+s13], $0x1, s12, s13, $0xb8;
	[tilespmem:$0x8A00] =	vst v63  }
0x22: {  	s24 =	simm.s32 $0x1400  }
0x23: {  	[tilespmem:s24], [sflag:$0x1] =	stream.indirect.gather [hbm4b:s5+s13], $0x20, s13, s13, $0xb8;
	[tilespmem:$0x8A00] =	vst v63  }
0x24: {  	s25 =	simm.s32 $0x5400  }
0x25: {  	[tilespmem:s25], [sflag:$0x1] =	stream.indirect.gather [hbm4b:s6+s13], $0x20, s17, s13, $0xb8;
	[tilespmem:$0x8A00] =	vst v63  }
0x26: {  	s25 =	simm.s32 $0x8480  }
0x27: {  	[tilespmem:s25], [sflag:$0x1] =	stream.indirect.gather [hbm4b:s1+s13], $0x1, s13, s13, $0xb8;
	[tilespmem:$0x8A00] =	vst v63  }
0x28: {  	s25 =	simm.s32 $0x8680  }
0x29: {  	[tilespmem:s25], [sflag:$0x1] =	stream.indirect.gather [hbm4b:s2+s13], $0x1, s17, s13, $0xb8;
	[tilespmem:$0x8A00] =	vst v63  }
0x2a: {  	s25 =	simm.s32 $0x2400  }
0x2b: {  	[tilespmem:s25], [sflag:$0x1] =	stream.indirect.gather [hbm4b:s5+s13], $0x20, s21, s13, $0xb8;
	[tilespmem:$0x8A00] =	vst v63  }
0x2c: {  	s25 =	simm.s32 $0x6400  }
0x2d: {  	[tilespmem:s25], [sflag:$0x1] =	stream.indirect.gather [hbm4b:s6+s13], $0x20, s23, s13, $0xb8;
	[tilespmem:$0x8A00] =	vst v63  }
0x2e: {  	s25 =	simm.s32 $0x8500  }
0x2f: {  	[tilespmem:s25], [sflag:$0x1] =	stream.indirect.gather [hbm4b:s1+s13], $0x1, s21, s13, $0xb8;
	[tilespmem:$0x8A00] =	vst v63  }
0x30: {  	_ = 	snop  }
0x31: {  	[tilespmem:s26], [sflag:$0x1] =	stream.indirect.gather [hbm4b:s2+s13], $0x1, s23, s13, $0xb8;
	[tilespmem:$0x8A00] =	vst v63  }
0x32: {  	_ = 	snop  }
0x33: {  	[tilespmem:s29], [sflag:$0x1] =	stream.indirect.gather [hbm4b:s5+s13], $0x20, s28, s13, $0xb8;
	[tilespmem:$0x8A00] =	vst v63  }
0x34: {  	_ = 	snop  }
0x35: {  	[tilespmem:s31], [sflag:$0x1] =	stream.indirect.gather [hbm4b:s6+s13], $0x20, s30, s13, $0xb8;
	[tilespmem:$0x8A00] =	vst v63  }
0x36: {  	_ = 	snop  }
0x37: {  	[tilespmem:s0], [sflag:$0x1] =	stream.indirect.gather [hbm4b:s1+s13], $0x1, s28, s13, $0xb8;
	[tilespmem:$0x8A00] =	vst v63  }
0x38: {  	_ = 	snop  }
0x39: {  	[tilespmem:s4], [sflag:$0x1] =	stream.indirect.gather [hbm4b:s2+s13], $0x1, s30, s13, $0xb8;
	[tilespmem:$0x8A00] =	vst v63  }
0x3a: {  	_ =	swait.ge [sflag:s16], $0x1000  }
0x3b: {  	[sflag:s16] =	ssyncset.done $0x0  }
0x3c: {  	[sflag:s16] =	ssyncadd.s32 $0xFFFFF000  }
0x3d: {  	_ =	swait.ge [sflag:s16], $0x1000  }
0x3e: {  	[sflag:s16] =	ssyncset.done $0x0  }
0x3f: {  	[sflag:s16] =	ssyncadd.s32 $0xFFFFF000  }
0x40: {  	_ =	swait.ge [sflag:s16], $0x80  }
0x41: {  	[sflag:s16] =	ssyncset.done $0x0  }
0x42: {  	[sflag:s16] =	ssyncadd.s32 $0xFFFFFF80  }
0x43: {  	_ =	swait.ge [sflag:s16], $0x80  }
0x44: {  	[sflag:s16] =	ssyncset.done $0x0  }
0x45: {  	[sflag:s16] =	ssyncadd.s32 $0xFFFFFF80  }
0x46: {  	_ =	swait.ge [sflag:s16], $0x1000  }
0x47: {  	[sflag:s16] =	ssyncset.done $0x0  }
0x48: {  	[sflag:s16] =	ssyncadd.s32 $0xFFFFF000  }
0x49: {  	_ =	swait.ge [sflag:s16], $0x1000  }
0x4a: {  	[sflag:s16] =	ssyncset.done $0x0  }
0x4b: {  	[sflag:s16] =	ssyncadd.s32 $0xFFFFF000  }
0x4c: {  	_ =	swait.ge [sflag:s16], $0x80  }
0x4d: {  	[sflag:s16] =	ssyncset.done $0x0  }
0x4e: {  	[sflag:s16] =	ssyncadd.s32 $0xFFFFFF80  }
0x4f: {  	_ =	swait.ge [sflag:s16], $0x80  }
0x50: {  	[sflag:s16] =	ssyncset.done $0x0  }
0x51: {  	[sflag:s16] =	ssyncadd.s32 $0xFFFFFF80  }
0x52: {  	_ =	swait.ge [sflag:s16], $0x1000  }
0x53: {  	[sflag:s16] =	ssyncset.done $0x0  }
0x54: {  	[sflag:s16] =	ssyncadd.s32 $0xFFFFF000  }
0x55: {  	_ =	swait.ge [sflag:s16], $0x1000  }
0x56: {  	[sflag:s16] =	ssyncset.done $0x0  }
0x57: {  	[sflag:s16] =	ssyncadd.s32 $0xFFFFF000  }
0x58: {  	_ =	swait.ge [sflag:s16], $0x80  }
0x59: {  	[sflag:s16] =	ssyncset.done $0x0  }
0x5a: {  	[sflag:s16] =	ssyncadd.s32 $0xFFFFFF80  }
0x5b: {  	_ =	swait.ge [sflag:s16], $0x80  }
0x5c: {  	[sflag:s16] =	ssyncset.done $0x0  }
0x5d: {  	[sflag:s16] =	ssyncadd.s32 $0xFFFFFF80  }
0x5e: {  	_ =	swait.ge [sflag:s16], $0x1000  }
0x5f: {  	[sflag:s16] =	ssyncset.done $0x0  }
0x60: {  	[sflag:s16] =	ssyncadd.s32 $0xFFFFF000  }
0x61: {  	_ =	swait.ge [sflag:s16], $0x1000  }
0x62: {  	[sflag:s16] =	ssyncset.done $0x0  }
0x63: {  	v1 =	vmov s3;
	[sflag:s16] =	ssyncadd.s32 $0xFFFFF000  }
0x64: {  	v1 =	vshll.u32 v1, $0x5;
	_ =	swait.ge [sflag:s16], $0x80  }
0x65: {  	v1 =	vor.u32 v0, v1;
	[sflag:s16] =	ssyncset.done $0x0  }
0x66: {  	[sflag:s16] =	ssyncadd.s32 $0xFFFFFF80  }
0x67: {  	v2 =	vor.u32 $0x1, v1;
	_ =	swait.ge [sflag:s16], $0x80  }
0x68: {  	[sflag:s16] =	ssyncset.done $0x0  }
0x69: {  	v3 =	vor.u32 $0x2, v1;
	[sflag:s16] =	ssyncadd.s32 $0xFFFFFF80  }
0x6a: {  	v4 =	vld.idx.msk [tilespmem:v1+s15+$0x0], $0xffff  }
0x6b: {  	v6 =	vor.u32 $0x3, v1;
	v5 =	vld.idx.msk [tilespmem:v1+s14+$0x0], $0xffff  }
0x6c: {  	v7 =	vld.idx.msk [tilespmem:v2+s14+$0x0], $0xffff  }
0x6d: {  	v8 =	vor.u32 $0x4, v1;
	v2 =	vld.idx.msk [tilespmem:v2+s15+$0x0], $0xffff  }
0x6e: {  	v9 =	vld.idx.msk [tilespmem:v3+s14+$0x0], $0xffff  }
0x6f: {  	v10 =	vor.u32 $0x5, v1;
	v3 =	vld.idx.msk [tilespmem:v3+s15+$0x0], $0xffff  }
0x70: {  	v11 =	vld.idx.msk [tilespmem:v6+s14+$0x0], $0xffff;
	v4 =	vmul.f32 v4, v5  }
0x71: {  	v40 =	vor.u32 $0x6, v1;
	v39 =	vld.idx.msk [tilespmem:v6+s15+$0x0], $0xffff  }
0x72: {  	v12 =	vld.idx.msk [tilespmem:v8+s14+$0x0], $0xffff;
	v2 =	vmul.f32 v2, v7;
	v4 =	vadd.f32 $0.0e+00, v4  }
0x73: {  	v42 =	vor.u32 $0x7, v1;
	v41 =	vld.idx.msk [tilespmem:v8+s15+$0x0], $0xffff  }
0x74: {  	v13 =	vld.idx.msk [tilespmem:v10+s14+$0x0], $0xffff;
	v3 =	vmul.f32 v3, v9;
	v2 =	vadd.f32 v2, v4  }
0x75: {  	v44 =	vor.u32 $0x8, v1;
	v43 =	vld.idx.msk [tilespmem:v10+s15+$0x0], $0xffff  }
0x76: {  	v45 =	vld.idx.msk [tilespmem:v40+s14+$0x0], $0xffff;
	v2 =	vadd.f32 v3, v2;
	v3 =	vmul.f32 v39, v11  }
0x77: {  	v47 =	vor.u32 $0x9, v1;
	v46 =	vld.idx.msk [tilespmem:v40+s15+$0x0], $0xffff  }
0x78: {  	v48 =	vld.idx.msk [tilespmem:v42+s14+$0x0], $0xffff;
	v2 =	vadd.f32 v3, v2;
	v3 =	vmul.f32 v41, v12  }
0x79: {  	v50 =	vor.u32 $0xA, v1;
	v49 =	vld.idx.msk [tilespmem:v42+s15+$0x0], $0xffff  }
0x7a: {  	v51 =	vld.idx.msk [tilespmem:v44+s14+$0x0], $0xffff;
	v2 =	vadd.f32 v3, v2;
	v3 =	vmul.f32 v43, v13  }
0x7b: {  	v53 =	vor.u32 $0xB, v1;
	v52 =	vld.idx.msk [tilespmem:v44+s15+$0x0], $0xffff  }
0x7c: {  	v54 =	vld.idx.msk [tilespmem:v47+s14+$0x0], $0xffff;
	v2 =	vadd.f32 v3, v2;
	v3 =	vmul.f32 v46, v45  }
0x7d: {  	v56 =	vor.u32 $0xC, v1;
	v55 =	vld.idx.msk [tilespmem:v47+s15+$0x0], $0xffff  }
0x7e: {  	v57 =	vld.idx.msk [tilespmem:v50+s14+$0x0], $0xffff;
	v2 =	vadd.f32 v3, v2;
	v3 =	vmul.f32 v49, v48  }
0x7f: {  	v59 =	vor.u32 $0xD, v1;
	v58 =	vld.idx.msk [tilespmem:v50+s15+$0x0], $0xffff  }
0x80: {  	v60 =	vld.idx.msk [tilespmem:v53+s14+$0x0], $0xffff;
	v2 =	vadd.f32 v3, v2;
	v3 =	vmul.f32 v52, v51  }
0x81: {  	v62 =	vor.u32 $0xE, v1;
	v61 =	vld.idx.msk [tilespmem:v53+s15+$0x0], $0xffff  }
0x82: {  	v63 =	vld.idx.msk [tilespmem:v56+s14+$0x0], $0xffff;
	v2 =	vadd.f32 v3, v2;
	v3 =	vmul.f32 v55, v54  }
0x83: {  	v17 =	vor.u32 $0xF, v1;
	v16 =	vld.idx.msk [tilespmem:v56+s15+$0x0], $0xffff  }
0x84: {  	v18 =	vld.idx.msk [tilespmem:v59+s14+$0x0], $0xffff;
	v2 =	vadd.f32 v3, v2;
	v3 =	vmul.f32 v58, v57  }
0x85: {  	v20 =	vor.u32 $0x10, v1;
	v19 =	vld.idx.msk [tilespmem:v59+s15+$0x0], $0xffff  }
0x86: {  	v21 =	vld.idx.msk [tilespmem:v62+s14+$0x0], $0xffff;
	v2 =	vadd.f32 v3, v2;
	v3 =	vmul.f32 v61, v60  }
0x87: {  	v23 =	vor.u32 $0x11, v1;
	v22 =	vld.idx.msk [tilespmem:v62+s15+$0x0], $0xffff  }
0x88: {  	v24 =	vld.idx.msk [tilespmem:v17+s14+$0x0], $0xffff;
	v2 =	vadd.f32 v3, v2;
	v3 =	vmul.f32 v16, v63  }
0x89: {  	v26 =	vor.u32 $0x12, v1;
	v25 =	vld.idx.msk [tilespmem:v17+s15+$0x0], $0xffff  }
0x8a: {  	v27 =	vld.idx.msk [tilespmem:v20+s14+$0x0], $0xffff;
	v2 =	vadd.f32 v3, v2;
	v3 =	vmul.f32 v19, v18  }
0x8b: {  	v29 =	vor.u32 $0x13, v1;
	v28 =	vld.idx.msk [tilespmem:v20+s15+$0x0], $0xffff  }
0x8c: {  	v30 =	vld.idx.msk [tilespmem:v23+s14+$0x0], $0xffff;
	v2 =	vadd.f32 v3, v2;
	v3 =	vmul.f32 v22, v21  }
0x8d: {  	v32 =	vor.u32 $0x14, v1;
	v31 =	vld.idx.msk [tilespmem:v23+s15+$0x0], $0xffff  }
0x8e: {  	v33 =	vld.idx.msk [tilespmem:v26+s14+$0x0], $0xffff;
	v2 =	vadd.f32 v3, v2;
	v3 =	vmul.f32 v25, v24  }
0x8f: {  	v35 =	vor.u32 $0x15, v1;
	v34 =	vld.idx.msk [tilespmem:v26+s15+$0x0], $0xffff  }
0x90: {  	v36 =	vld.idx.msk [tilespmem:v29+s14+$0x0], $0xffff;
	v2 =	vadd.f32 v3, v2;
	v3 =	vmul.f32 v28, v27  }
0x91: {  	v38 =	vor.u32 $0x16, v1;
	v37 =	vld.idx.msk [tilespmem:v29+s15+$0x0], $0xffff  }
0x92: {  	v40 =	vld.idx.msk [tilespmem:v32+s15+$0x0], $0xffff;
	v2 =	vadd.f32 v3, v2;
	v3 =	vmul.f32 v31, v30  }
0x93: {  	v39 =	vld.idx.msk [tilespmem:v32+s14+$0x0], $0xffff;
	v41 =	vor.u32 $0x17, v1  }
0x94: {  	v42 =	vld.idx.msk [tilespmem:v35+s14+$0x0], $0xffff;
	v2 =	vadd.f32 v3, v2;
	v3 =	vmul.f32 v34, v33  }
0x95: {  	v44 =	vor.u32 $0x18, v1;
	v43 =	vld.idx.msk [tilespmem:v35+s15+$0x0], $0xffff  }
0x96: {  	v45 =	vld.idx.msk [tilespmem:v38+s14+$0x0], $0xffff;
	v2 =	vadd.f32 v3, v2;
	v3 =	vmul.f32 v37, v36  }
0x97: {  	v47 =	vor.u32 $0x19, v1;
	v46 =	vld.idx.msk [tilespmem:v38+s15+$0x0], $0xffff  }
0x98: {  	v48 =	vld.idx.msk [tilespmem:v41+s14+$0x0], $0xffff;
	v2 =	vadd.f32 v3, v2;
	v3 =	vmul.f32 v40, v39  }
0x99: {  	v50 =	vor.u32 $0x1A, v1;
	v49 =	vld.idx.msk [tilespmem:v41+s15+$0x0], $0xffff  }
0x9a: {  	v51 =	vld.idx.msk [tilespmem:v44+s14+$0x0], $0xffff;
	v2 =	vadd.f32 v3, v2;
	v3 =	vmul.f32 v43, v42  }
0x9b: {  	v53 =	vor.u32 $0x1B, v1;
	v52 =	vld.idx.msk [tilespmem:v44+s15+$0x0], $0xffff  }
0x9c: {  	v54 =	vld.idx.msk [tilespmem:v47+s14+$0x0], $0xffff;
	v2 =	vadd.f32 v3, v2;
	v3 =	vmul.f32 v46, v45  }
0x9d: {  	v56 =	vor.u32 $0x1C, v1;
	v55 =	vld.idx.msk [tilespmem:v47+s15+$0x0], $0xffff  }
0x9e: {  	v57 =	vld.idx.msk [tilespmem:v50+s14+$0x0], $0xffff;
	v2 =	vadd.f32 v3, v2;
	v3 =	vmul.f32 v49, v48  }
0x9f: {  	v59 =	vor.u32 $0x1D, v1;
	v58 =	vld.idx.msk [tilespmem:v50+s15+$0x0], $0xffff  }
0xa0: {  	v60 =	vld.idx.msk [tilespmem:v53+s14+$0x0], $0xffff;
	v2 =	vadd.f32 v3, v2;
	v3 =	vmul.f32 v52, v51  }
0xa1: {  	v62 =	vor.u32 $0x1E, v1;
	v61 =	vld.idx.msk [tilespmem:v53+s15+$0x0], $0xffff  }
0xa2: {  	v15 =	vld.idx.msk [tilespmem:v56+s15+$0x0], $0xffff;
	v2 =	vadd.f32 v3, v2;
	v3 =	vmul.f32 v55, v54  }
0xa3: {  	v1 =	vor.u32 $0x1F, v1;
	v63 =	vld.idx.msk [tilespmem:v56+s14+$0x0], $0xffff  }
0xa4: {  	v17 =	vld.idx.msk [tilespmem:v59+s15+$0x0], $0xffff;
	v2 =	vadd.f32 v3, v2;
	v3 =	vmul.f32 v58, v57  }
0xa5: {  	v16 =	vld.idx.msk [tilespmem:v59+s14+$0x0], $0xffff  }
0xa6: {  	v18 =	vld.idx.msk [tilespmem:v62+s14+$0x0], $0xffff;
	v2 =	vadd.f32 v3, v2;
	v3 =	vmul.f32 v61, v60  }
0xa7: {  	v19 =	vld.idx.msk [tilespmem:v62+s15+$0x0], $0xffff  }
0xa8: {  	v20 =	vld.idx.msk [tilespmem:v1+s14+$0x0], $0xffff;
	v2 =	vadd.f32 v3, v2;
	v3 =	vmul.f32 v15, v63  }
0xa9: {  	v1 =	vld.idx.msk [tilespmem:v1+s15+$0x0], $0xffff  }
0xaa: {  	v2 =	vadd.f32 v3, v2;
	v3 =	vmul.f32 v17, v16;
	_ =	sdelay $0x1  }
0xab: {  	v2 =	vadd.f32 v3, v2;
	v3 =	vmul.f32 v19, v18  }
0xac: {  	v21 =	vld [tilespmem:s22+$0x0]  }
0xad: {  	v1 =	vmul.f32 v1, v20;
	v2 =	vadd.f32 v3, v2  }
0xae: {  	v3 =	vld [tilespmem:s20+$0x0]  }
0xaf: {  	v1 =	vadd.f32 v1, v2;
	_ =	sdelay $0x1  }
0xb0: {  	v1 =	vadd.f32 v1, v21;
	_ =	sdelay $0x1  }
0xb1: {  	v1 =	vadd.f32 v1, v3;
	_ =	sdelay $0x1  }
0xb2: {  	v1 =	vsub.f32 $0.0e+00, v1;
	_ =	sdelay $0x1  }
0xb3: {  	v1 =	vmul.f32 $1.442695020e+00, v1;
	_ =	sdelay $0x1  }
0xb4: {  	(erf) = vpow2.f32 v1;
	_ =	sdelay $0x8  }
0xb5: {  	v1 =	vpop (erf)  }
0xb6: {  	v1 =	vadd.f32 $1.000000000e+00, v1;
	_ =	sdelay $0x1  }
0xb7: {  	(erf) = vrcp.f32 v1;
	_ =	sdelay $0x2  }
0xb8: {  	s24 =	simm.s32 $0x10  }
0xb9: {  	v1 =	vmov s24  }
0xba: {  	v1 =	vshll.u32 v1, $0x5  }
0xbb: {  	v1 =	vor.u32 v0, v1;
	_ =	sdelay $0x1  }
0xbc: {  	v2 =	vor.u32 $0x1, v1  }
0xbd: {  	v3 =	vpop (erf)  }
0xbe: {  	v22 =	vor.u32 $0x2, v1;
	[tilespmem:s18+$0x0] =	vst v3  }
0xbf: {  	v3 =	vld.idx.msk [tilespmem:v1+s15+$0x0], $0xffff  }
0xc0: {  	v24 =	vor.u32 $0x3, v1;
	v23 =	vld.idx.msk [tilespmem:v1+s14+$0x0], $0xffff  }
0xc1: {  	v25 =	vld.idx.msk [tilespmem:v2+s14+$0x0], $0xffff  }
0xc2: {  	v26 =	vor.u32 $0x4, v1;
	v2 =	vld.idx.msk [tilespmem:v2+s15+$0x0], $0xffff  }
0xc3: {  	v27 =	vld.idx.msk [tilespmem:v22+s14+$0x0], $0xffff  }
0xc4: {  	v28 =	vor.u32 $0x5, v1;
	v4 =	vld.idx.msk [tilespmem:v22+s15+$0x0], $0xffff  }
0xc5: {  	v29 =	vld.idx.msk [tilespmem:v24+s14+$0x0], $0xffff;
	v3 =	vmul.f32 v3, v23  }
0xc6: {  	v31 =	vor.u32 $0x6, v1;
	v30 =	vld.idx.msk [tilespmem:v24+s15+$0x0], $0xffff  }
0xc7: {  	v32 =	vld.idx.msk [tilespmem:v26+s14+$0x0], $0xffff;
	v2 =	vmul.f32 v2, v25;
	v3 =	vadd.f32 $0.0e+00, v3  }
0xc8: {  	v34 =	vor.u32 $0x7, v1;
	v33 =	vld.idx.msk [tilespmem:v26+s15+$0x0], $0xffff  }
0xc9: {  	v35 =	vld.idx.msk [tilespmem:v28+s14+$0x0], $0xffff;
	v2 =	vadd.f32 v2, v3;
	v3 =	vmul.f32 v4, v27  }
0xca: {  	v37 =	vor.u32 $0x8, v1;
	v36 =	vld.idx.msk [tilespmem:v28+s15+$0x0], $0xffff  }
0xcb: {  	v38 =	vld.idx.msk [tilespmem:v31+s14+$0x0], $0xffff;
	v2 =	vadd.f32 v3, v2;
	v3 =	vmul.f32 v30, v29  }
0xcc: {  	v40 =	vor.u32 $0x9, v1;
	v39 =	vld.idx.msk [tilespmem:v31+s15+$0x0], $0xffff  }
0xcd: {  	v41 =	vld.idx.msk [tilespmem:v34+s14+$0x0], $0xffff;
	v2 =	vadd.f32 v3, v2;
	v3 =	vmul.f32 v33, v32  }
0xce: {  	v43 =	vor.u32 $0xA, v1;
	v42 =	vld.idx.msk [tilespmem:v34+s15+$0x0], $0xffff  }
0xcf: {  	v44 =	vld.idx.msk [tilespmem:v37+s14+$0x0], $0xffff;
	v2 =	vadd.f32 v3, v2;
	v3 =	vmul.f32 v36, v35  }
0xd0: {  	v46 =	vor.u32 $0xB, v1;
	v45 =	vld.idx.msk [tilespmem:v37+s15+$0x0], $0xffff  }
0xd1: {  	v47 =	vld.idx.msk [tilespmem:v40+s14+$0x0], $0xffff;
	v2 =	vadd.f32 v3, v2;
	v3 =	vmul.f32 v39, v38  }
0xd2: {  	v49 =	vor.u32 $0xC, v1;
	v48 =	vld.idx.msk [tilespmem:v40+s15+$0x0], $0xffff  }
0xd3: {  	v50 =	vld.idx.msk [tilespmem:v43+s14+$0x0], $0xffff;
	v2 =	vadd.f32 v3, v2;
	v3 =	vmul.f32 v42, v41  }
0xd4: {  	v52 =	vor.u32 $0xD, v1;
	v51 =	vld.idx.msk [tilespmem:v43+s15+$0x0], $0xffff  }
0xd5: {  	v53 =	vld.idx.msk [tilespmem:v46+s14+$0x0], $0xffff;
	v2 =	vadd.f32 v3, v2;
	v3 =	vmul.f32 v45, v44  }
0xd6: {  	v55 =	vor.u32 $0xE, v1;
	v54 =	vld.idx.msk [tilespmem:v46+s15+$0x0], $0xffff  }
0xd7: {  	v56 =	vld.idx.msk [tilespmem:v49+s14+$0x0], $0xffff;
	v2 =	vadd.f32 v3, v2;
	v3 =	vmul.f32 v48, v47  }
0xd8: {  	v58 =	vor.u32 $0xF, v1;
	v57 =	vld.idx.msk [tilespmem:v49+s15+$0x0], $0xffff  }
0xd9: {  	v59 =	vld.idx.msk [tilespmem:v52+s14+$0x0], $0xffff;
	v2 =	vadd.f32 v3, v2;
	v3 =	vmul.f32 v51, v50  }
0xda: {  	v61 =	vor.u32 $0x10, v1;
	v60 =	vld.idx.msk [tilespmem:v52+s15+$0x0], $0xffff  }
0xdb: {  	v62 =	vld.idx.msk [tilespmem:v55+s14+$0x0], $0xffff;
	v2 =	vadd.f32 v3, v2;
	v3 =	vmul.f32 v54, v53  }
0xdc: {  	v16 =	vor.u32 $0x11, v1;
	v63 =	vld.idx.msk [tilespmem:v55+s15+$0x0], $0xffff  }
0xdd: {  	v17 =	vld.idx.msk [tilespmem:v58+s14+$0x0], $0xffff;
	v2 =	vadd.f32 v3, v2;
	v3 =	vmul.f32 v57, v56  }
0xde: {  	v19 =	vor.u32 $0x12, v1;
	v18 =	vld.idx.msk [tilespmem:v58+s15+$0x0], $0xffff  }
0xdf: {  	v20 =	vld.idx.msk [tilespmem:v61+s14+$0x0], $0xffff;
	v2 =	vadd.f32 v3, v2;
	v3 =	vmul.f32 v60, v59  }
0xe0: {  	v21 =	vld.idx.msk [tilespmem:v61+s15+$0x0], $0xffff;
	v22 =	vor.u32 $0x13, v1  }
0xe1: {  	v24 =	vld.idx.msk [tilespmem:v16+s15+$0x0], $0xffff;
	v2 =	vadd.f32 v3, v2;
	v3 =	vmul.f32 v63, v62  }
0xe2: {  	v23 =	vld.idx.msk [tilespmem:v16+s14+$0x0], $0xffff;
	v25 =	vor.u32 $0x14, v1  }
0xe3: {  	v26 =	vld.idx.msk [tilespmem:v19+s14+$0x0], $0xffff;
	v2 =	vadd.f32 v3, v2;
	v3 =	vmul.f32 v18, v17  }
0xe4: {  	v28 =	vor.u32 $0x15, v1;
	v27 =	vld.idx.msk [tilespmem:v19+s15+$0x0], $0xffff  }
0xe5: {  	v29 =	vld.idx.msk [tilespmem:v22+s14+$0x0], $0xffff;
	v2 =	vadd.f32 v3, v2;
	v3 =	vmul.f32 v21, v20  }
0xe6: {  	v31 =	vor.u32 $0x16, v1;
	v30 =	vld.idx.msk [tilespmem:v22+s15+$0x0], $0xffff  }
0xe7: {  	v32 =	vld.idx.msk [tilespmem:v25+s14+$0x0], $0xffff;
	v2 =	vadd.f32 v3, v2;
	v3 =	vmul.f32 v24, v23  }
0xe8: {  	v34 =	vor.u32 $0x17, v1;
	v33 =	vld.idx.msk [tilespmem:v25+s15+$0x0], $0xffff  }
0xe9: {  	v35 =	vld.idx.msk [tilespmem:v28+s14+$0x0], $0xffff;
	v2 =	vadd.f32 v3, v2;
	v3 =	vmul.f32 v27, v26  }
0xea: {  	v37 =	vor.u32 $0x18, v1;
	v36 =	vld.idx.msk [tilespmem:v28+s15+$0x0], $0xffff  }
0xeb: {  	v38 =	vld.idx.msk [tilespmem:v31+s14+$0x0], $0xffff;
	v2 =	vadd.f32 v3, v2;
	v3 =	vmul.f32 v30, v29  }
0xec: {  	v40 =	vor.u32 $0x19, v1;
	v39 =	vld.idx.msk [tilespmem:v31+s15+$0x0], $0xffff  }
0xed: {  	v41 =	vld.idx.msk [tilespmem:v34+s14+$0x0], $0xffff;
	v2 =	vadd.f32 v3, v2;
	v3 =	vmul.f32 v33, v32  }
0xee: {  	v43 =	vor.u32 $0x1A, v1;
	v42 =	vld.idx.msk [tilespmem:v34+s15+$0x0], $0xffff  }
0xef: {  	v44 =	vld.idx.msk [tilespmem:v37+s14+$0x0], $0xffff;
	v2 =	vadd.f32 v3, v2;
	v3 =	vmul.f32 v36, v35  }
0xf0: {  	v46 =	vor.u32 $0x1B, v1;
	v45 =	vld.idx.msk [tilespmem:v37+s15+$0x0], $0xffff  }
0xf1: {  	v47 =	vld.idx.msk [tilespmem:v40+s14+$0x0], $0xffff;
	v2 =	vadd.f32 v3, v2;
	v3 =	vmul.f32 v39, v38  }
0xf2: {  	v49 =	vor.u32 $0x1C, v1;
	v48 =	vld.idx.msk [tilespmem:v40+s15+$0x0], $0xffff  }
0xf3: {  	v50 =	vld.idx.msk [tilespmem:v43+s14+$0x0], $0xffff;
	v2 =	vadd.f32 v3, v2;
	v3 =	vmul.f32 v42, v41  }
0xf4: {  	v52 =	vor.u32 $0x1D, v1;
	v51 =	vld.idx.msk [tilespmem:v43+s15+$0x0], $0xffff  }
0xf5: {  	v53 =	vld.idx.msk [tilespmem:v46+s14+$0x0], $0xffff;
	v2 =	vadd.f32 v3, v2;
	v3 =	vmul.f32 v45, v44  }
0xf6: {  	v55 =	vor.u32 $0x1E, v1;
	v54 =	vld.idx.msk [tilespmem:v46+s15+$0x0], $0xffff  }
0xf7: {  	v56 =	vld.idx.msk [tilespmem:v49+s14+$0x0], $0xffff;
	v2 =	vadd.f32 v3, v2;
	v3 =	vmul.f32 v48, v47  }
0xf8: {  	v1 =	vor.u32 $0x1F, v1;
	v57 =	vld.idx.msk [tilespmem:v49+s15+$0x0], $0xffff  }
0xf9: {  	v58 =	vld.idx.msk [tilespmem:v52+s14+$0x0], $0xffff;
	v2 =	vadd.f32 v3, v2;
	v3 =	vmul.f32 v51, v50  }
0xfa: {  	v59 =	vld.idx.msk [tilespmem:v52+s15+$0x0], $0xffff  }
0xfb: {  	v61 =	vld.idx.msk [tilespmem:v55+s15+$0x0], $0xffff;
	v2 =	vadd.f32 v3, v2;
	v3 =	vmul.f32 v54, v53  }
0xfc: {  	v60 =	vld.idx.msk [tilespmem:v55+s14+$0x0], $0xffff  }
0xfd: {  	v62 =	vld.idx.msk [tilespmem:v1+s14+$0x0], $0xffff;
	v2 =	vadd.f32 v3, v2;
	v3 =	vmul.f32 v57, v56  }
0xfe: {  	v1 =	vld.idx.msk [tilespmem:v1+s15+$0x0], $0xffff  }
0xff: {  	v2 =	vadd.f32 v3, v2;
	v3 =	vmul.f32 v59, v58;
	_ =	sdelay $0x1  }
0x100: {  	s20 =	simm.s32 $0x8410;
	v2 =	vadd.f32 v3, v2;
	v3 =	vmul.f32 v61, v60  }
0x101: {  	v63 =	vld [tilespmem:s20+$0x0]  }
0x102: {  	s22 =	simm.s32 $0x8610;
	v1 =	vmul.f32 v1, v62;
	v2 =	vadd.f32 v3, v2  }
0x103: {  	v3 =	vld [tilespmem:s22+$0x0]  }
0x104: {  	v1 =	vadd.f32 v1, v2;
	_ =	sdelay $0x1  }
0x105: {  	v1 =	vadd.f32 v1, v63;
	_ =	sdelay $0x1  }
0x106: {  	v1 =	vadd.f32 v1, v3;
	_ =	sdelay $0x1  }
0x107: {  	v1 =	vsub.f32 $0.0e+00, v1;
	_ =	sdelay $0x1  }
0x108: {  	v1 =	vmul.f32 $1.442695020e+00, v1;
	_ =	sdelay $0x1  }
0x109: {  	(erf) = vpow2.f32 v1;
	_ =	sdelay $0x8  }
0x10a: {  	v1 =	vpop (erf)  }
0x10b: {  	v1 =	vadd.f32 $1.000000000e+00, v1;
	_ =	sdelay $0x1  }
0x10c: {  	(erf) = vrcp.f32 v1;
	_ =	sdelay $0x2  }
0x10d: {  	s25 =	simm.s32 $0x20  }
0x10e: {  	v2 =	vmov s25  }
0x10f: {  	s24 =	simm.s32 $0x8800;
	s25 =	simm.s32 $0x30;
	v1 =	vshll.u32 v2, $0x5  }
.LBB2_2:
0x110: {  	p0 =	sne.s32 s25, $0x1F0;
	v1 =	vor.u32 v0, v1;
	_ =	sdelay $0x1  }
0x111: {  	v2 =	vor.u32 $0x1, v1  }
0x112: {  	s24 =	sadd.s32 $0x10, s24;
	v3 =	vpop (erf)  }
0x113: {  	v4 =	vor.u32 $0x2, v1;
	[tilespmem:s24+$0x0] =	vst v3  }
0x114: {  	v3 =	vld.idx.msk [tilespmem:v1+s15+$0x0], $0xffff  }
0x115: {  	v6 =	vor.u32 $0x3, v1;
	v5 =	vld.idx.msk [tilespmem:v1+s14+$0x0], $0xffff  }
0x116: {  	v7 =	vld.idx.msk [tilespmem:v2+s14+$0x0], $0xffff  }
0x117: {  	v8 =	vor.u32 $0x4, v1;
	v2 =	vld.idx.msk [tilespmem:v2+s15+$0x0], $0xffff  }
0x118: {  	v9 =	vld.idx.msk [tilespmem:v4+s14+$0x0], $0xffff  }
0x119: {  	v10 =	vor.u32 $0x5, v1;
	v4 =	vld.idx.msk [tilespmem:v4+s15+$0x0], $0xffff  }
0x11a: {  	v11 =	vld.idx.msk [tilespmem:v6+s14+$0x0], $0xffff  }
0x11b: {  	v3 =	vmul.f32 v3, v5;
	v5 =	vld.idx.msk [tilespmem:v6+s15+$0x0], $0xffff;
	v6 =	vor.u32 $0x6, v1  }
0x11c: {  	v12 =	vld.idx.msk [tilespmem:v8+s14+$0x0], $0xffff  }
0x11d: {  	v3 =	vadd.f32 $0.0e+00, v3;
	v2 =	vmul.f32 v2, v7;
	v7 =	vld.idx.msk [tilespmem:v8+s15+$0x0], $0xffff;
	v8 =	vor.u32 $0x7, v1  }
0x11e: {  	v13 =	vld.idx.msk [tilespmem:v10+s14+$0x0], $0xffff  }
0x11f: {  	v2 =	vadd.f32 v2, v3;
	v3 =	vmul.f32 v4, v9;
	v9 =	vor.u32 $0x8, v1;
	v4 =	vld.idx.msk [tilespmem:v10+s15+$0x0], $0xffff  }
0x120: {  	v10 =	vld.idx.msk [tilespmem:v6+s14+$0x0], $0xffff  }
0x121: {  	v2 =	vadd.f32 v3, v2;
	v3 =	vmul.f32 v5, v11;
	v5 =	vld.idx.msk [tilespmem:v6+s15+$0x0], $0xffff;
	v6 =	vor.u32 $0x9, v1  }
0x122: {  	v11 =	vld.idx.msk [tilespmem:v8+s14+$0x0], $0xffff  }
0x123: {  	v2 =	vadd.f32 v3, v2;
	v3 =	vmul.f32 v7, v12;
	v7 =	vld.idx.msk [tilespmem:v8+s15+$0x0], $0xffff;
	v8 =	vor.u32 $0xA, v1  }
0x124: {  	v12 =	vld.idx.msk [tilespmem:v9+s14+$0x0], $0xffff  }
0x125: {  	v2 =	vadd.f32 v3, v2;
	v3 =	vmul.f32 v4, v13;
	v4 =	vld.idx.msk [tilespmem:v9+s15+$0x0], $0xffff;
	v9 =	vor.u32 $0xB, v1  }
0x126: {  	v13 =	vld.idx.msk [tilespmem:v6+s14+$0x0], $0xffff  }
0x127: {  	v2 =	vadd.f32 v3, v2;
	v3 =	vmul.f32 v5, v10;
	v5 =	vld.idx.msk [tilespmem:v6+s15+$0x0], $0xffff;
	v6 =	vor.u32 $0xC, v1  }
0x128: {  	v10 =	vld.idx.msk [tilespmem:v8+s14+$0x0], $0xffff  }
0x129: {  	v2 =	vadd.f32 v3, v2;
	v3 =	vmul.f32 v7, v11;
	v7 =	vld.idx.msk [tilespmem:v8+s15+$0x0], $0xffff;
	v8 =	vor.u32 $0xD, v1  }
0x12a: {  	v11 =	vld.idx.msk [tilespmem:v9+s14+$0x0], $0xffff  }
0x12b: {  	v2 =	vadd.f32 v3, v2;
	v3 =	vmul.f32 v4, v12;
	v4 =	vld.idx.msk [tilespmem:v9+s15+$0x0], $0xffff;
	v9 =	vor.u32 $0xE, v1  }
0x12c: {  	v12 =	vld.idx.msk [tilespmem:v6+s14+$0x0], $0xffff  }
0x12d: {  	v2 =	vadd.f32 v3, v2;
	v3 =	vmul.f32 v5, v13;
	v5 =	vld.idx.msk [tilespmem:v6+s15+$0x0], $0xffff;
	v6 =	vor.u32 $0xF, v1  }
0x12e: {  	v13 =	vld.idx.msk [tilespmem:v8+s14+$0x0], $0xffff  }
0x12f: {  	v2 =	vadd.f32 v3, v2;
	v3 =	vmul.f32 v7, v10;
	v7 =	vld.idx.msk [tilespmem:v8+s15+$0x0], $0xffff;
	v8 =	vor.u32 $0x10, v1  }
0x130: {  	v10 =	vld.idx.msk [tilespmem:v9+s14+$0x0], $0xffff  }
0x131: {  	v2 =	vadd.f32 v3, v2;
	v3 =	vmul.f32 v4, v11;
	v4 =	vld.idx.msk [tilespmem:v9+s15+$0x0], $0xffff;
	v9 =	vor.u32 $0x11, v1  }
0x132: {  	v11 =	vld.idx.msk [tilespmem:v6+s14+$0x0], $0xffff  }
0x133: {  	v2 =	vadd.f32 v3, v2;
	v3 =	vmul.f32 v5, v12;
	v5 =	vld.idx.msk [tilespmem:v6+s15+$0x0], $0xffff;
	v6 =	vor.u32 $0x12, v1  }
0x134: {  	v12 =	vld.idx.msk [tilespmem:v8+s14+$0x0], $0xffff  }
0x135: {  	v2 =	vadd.f32 v3, v2;
	v3 =	vmul.f32 v7, v13;
	v7 =	vld.idx.msk [tilespmem:v8+s15+$0x0], $0xffff;
	v8 =	vor.u32 $0x13, v1  }
0x136: {  	v13 =	vld.idx.msk [tilespmem:v9+s14+$0x0], $0xffff  }
0x137: {  	v2 =	vadd.f32 v3, v2;
	v3 =	vmul.f32 v4, v10;
	v4 =	vld.idx.msk [tilespmem:v9+s15+$0x0], $0xffff;
	v9 =	vor.u32 $0x14, v1  }
0x138: {  	v10 =	vld.idx.msk [tilespmem:v6+s14+$0x0], $0xffff  }
0x139: {  	v2 =	vadd.f32 v3, v2;
	v3 =	vmul.f32 v5, v11;
	v5 =	vld.idx.msk [tilespmem:v6+s15+$0x0], $0xffff;
	v6 =	vor.u32 $0x15, v1  }
0x13a: {  	v11 =	vld.idx.msk [tilespmem:v8+s14+$0x0], $0xffff  }
0x13b: {  	v2 =	vadd.f32 v3, v2;
	v3 =	vmul.f32 v7, v12;
	v7 =	vld.idx.msk [tilespmem:v8+s15+$0x0], $0xffff;
	v8 =	vor.u32 $0x16, v1  }
0x13c: {  	v12 =	vld.idx.msk [tilespmem:v9+s14+$0x0], $0xffff  }
0x13d: {  	v2 =	vadd.f32 v3, v2;
	v3 =	vmul.f32 v4, v13;
	v4 =	vld.idx.msk [tilespmem:v9+s15+$0x0], $0xffff;
	v9 =	vor.u32 $0x17, v1  }
0x13e: {  	v13 =	vld.idx.msk [tilespmem:v6+s14+$0x0], $0xffff  }
0x13f: {  	v2 =	vadd.f32 v3, v2;
	v3 =	vmul.f32 v5, v10;
	v5 =	vld.idx.msk [tilespmem:v6+s15+$0x0], $0xffff;
	v6 =	vor.u32 $0x18, v1  }
0x140: {  	v10 =	vld.idx.msk [tilespmem:v8+s14+$0x0], $0xffff  }
0x141: {  	v2 =	vadd.f32 v3, v2;
	v3 =	vmul.f32 v7, v11;
	v7 =	vld.idx.msk [tilespmem:v8+s15+$0x0], $0xffff;
	v8 =	vor.u32 $0x19, v1  }
0x142: {  	v11 =	vld.idx.msk [tilespmem:v9+s14+$0x0], $0xffff  }
0x143: {  	v2 =	vadd.f32 v3, v2;
	v3 =	vmul.f32 v4, v12;
	v4 =	vld.idx.msk [tilespmem:v9+s15+$0x0], $0xffff;
	v9 =	vor.u32 $0x1A, v1  }
0x144: {  	v12 =	vld.idx.msk [tilespmem:v6+s14+$0x0], $0xffff  }
0x145: {  	v2 =	vadd.f32 v3, v2;
	v3 =	vmul.f32 v5, v13;
	v5 =	vld.idx.msk [tilespmem:v6+s15+$0x0], $0xffff;
	v6 =	vor.u32 $0x1B, v1  }
0x146: {  	v13 =	vld.idx.msk [tilespmem:v8+s14+$0x0], $0xffff  }
0x147: {  	v2 =	vadd.f32 v3, v2;
	v3 =	vmul.f32 v7, v10;
	v7 =	vld.idx.msk [tilespmem:v8+s15+$0x0], $0xffff;
	v8 =	vor.u32 $0x1C, v1  }
0x148: {  	v10 =	vld.idx.msk [tilespmem:v9+s14+$0x0], $0xffff  }
0x149: {  	v2 =	vadd.f32 v3, v2;
	v3 =	vmul.f32 v4, v11;
	v4 =	vld.idx.msk [tilespmem:v9+s15+$0x0], $0xffff;
	v9 =	vor.u32 $0x1D, v1  }
0x14a: {  	v11 =	vld.idx.msk [tilespmem:v6+s14+$0x0], $0xffff  }
0x14b: {  	v2 =	vadd.f32 v3, v2;
	v3 =	vmul.f32 v5, v12;
	v5 =	vld.idx.msk [tilespmem:v6+s15+$0x0], $0xffff;
	v6 =	vor.u32 $0x1E, v1  }
0x14c: {  	v12 =	vld.idx.msk [tilespmem:v8+s14+$0x0], $0xffff  }
0x14d: {  	v1 =	vor.u32 $0x1F, v1;
	v2 =	vadd.f32 v3, v2;
	v3 =	vmul.f32 v7, v13;
	v7 =	vld.idx.msk [tilespmem:v8+s15+$0x0], $0xffff  }
0x14e: {  	v8 =	vld.idx.msk [tilespmem:v9+s14+$0x0], $0xffff  }
0x14f: {  	v2 =	vadd.f32 v3, v2;
	v3 =	vmul.f32 v4, v10;
	v4 =	vld.idx.msk [tilespmem:v9+s15+$0x0], $0xffff  }
0x150: {  	v9 =	vld.idx.msk [tilespmem:v6+s14+$0x0], $0xffff  }
0x151: {  	v2 =	vadd.f32 v3, v2;
	v3 =	vmul.f32 v5, v11;
	v5 =	vld.idx.msk [tilespmem:v6+s15+$0x0], $0xffff  }
0x152: {  	v6 =	vld.idx.msk [tilespmem:v1+s14+$0x0], $0xffff  }
0x153: {  	v2 =	vadd.f32 v3, v2;
	v3 =	vmul.f32 v7, v12;
	v1 =	vld.idx.msk [tilespmem:v1+s15+$0x0], $0xffff;
	_ =	sdelay $0x1  }
0x154: {  	v2 =	vadd.f32 v3, v2;
	v3 =	vmul.f32 v4, v8;
	_ =	sdelay $0x1  }
0x155: {  	s20 =	sadd.s32 $0x10, s20;
	v2 =	vadd.f32 v3, v2;
	v3 =	vmul.f32 v5, v9  }
0x156: {  	v4 =	vld [tilespmem:s20+$0x0]  }
0x157: {  	s22 =	sadd.s32 $0x10, s22;
	v2 =	vadd.f32 v3, v2;
	v1 =	vmul.f32 v1, v6  }
0x158: {  	v3 =	vld [tilespmem:s22+$0x0]  }
0x159: {  	v1 =	vadd.f32 v1, v2;
	_ =	sdelay $0x1  }
0x15a: {  	v1 =	vadd.f32 v1, v4;
	_ =	sdelay $0x1  }
0x15b: {  	v1 =	vadd.f32 v1, v3;
	_ =	sdelay $0x1  }
0x15c: {  	v1 =	vsub.f32 $0.0e+00, v1;
	_ =	sdelay $0x1  }
0x15d: {  	v1 =	vmul.f32 $1.442695020e+00, v1;
	_ =	sdelay $0x1  }
0x15e: {  	(erf) = vpow2.f32 v1;
	_ =	sdelay $0x8  }
0x15f: {  	v1 =	vpop (erf)  }
0x160: {  	v1 =	vadd.f32 $1.000000000e+00, v1;
	_ =	sdelay $0x1  }
0x161: {  	(erf) = vrcp.f32 v1  }
.Ltmp0:
0x162: {  	(pc) =	sbr.rel @p0 .LBB2_2-.Ltmp0, $3  }
0x163: {  	_ =	sdelay $0x1  }
0x164: {  	v1 =	vmov s25  }
0x165: {  	s25 =	sadd.s32 $0x10, s25;
	v1 =	vshll.u32 v1, $0x5  }
0x166: {  	v1 =	vor.u32 v0, v1;
	_ =	sdelay $0x1  }
0x167: {  	v2 =	vor.u32 $0x1, v1  }
0x168: {  	s24 =	sadd.s32 $0x10, s24;
	v3 =	vpop (erf)  }
0x169: {  	v4 =	vor.u32 $0x2, v1;
	[tilespmem:s24+$0x0] =	vst v3  }
0x16a: {  	v3 =	vld.idx.msk [tilespmem:v1+s15+$0x0], $0xffff  }
0x16b: {  	v6 =	vor.u32 $0x3, v1;
	v5 =	vld.idx.msk [tilespmem:v1+s14+$0x0], $0xffff  }
0x16c: {  	v7 =	vld.idx.msk [tilespmem:v2+s14+$0x0], $0xffff  }
0x16d: {  	v8 =	vor.u32 $0x4, v1;
	v2 =	vld.idx.msk [tilespmem:v2+s15+$0x0], $0xffff  }
0x16e: {  	v9 =	vld.idx.msk [tilespmem:v4+s14+$0x0], $0xffff  }
0x16f: {  	v10 =	vor.u32 $0x5, v1;
	v4 =	vld.idx.msk [tilespmem:v4+s15+$0x0], $0xffff  }
0x170: {  	v11 =	vld.idx.msk [tilespmem:v6+s14+$0x0], $0xffff;
	v3 =	vmul.f32 v3, v5  }
0x171: {  	v33 =	vor.u32 $0x6, v1;
	v32 =	vld.idx.msk [tilespmem:v6+s15+$0x0], $0xffff  }
0x172: {  	v12 =	vld.idx.msk [tilespmem:v8+s14+$0x0], $0xffff;
	v2 =	vmul.f32 v2, v7;
	v3 =	vadd.f32 $0.0e+00, v3  }
0x173: {  	v35 =	vor.u32 $0x7, v1;
	v34 =	vld.idx.msk [tilespmem:v8+s15+$0x0], $0xffff  }
0x174: {  	v13 =	vld.idx.msk [tilespmem:v10+s14+$0x0], $0xffff;
	v2 =	vadd.f32 v2, v3;
	v3 =	vmul.f32 v4, v9  }
0x175: {  	v37 =	vor.u32 $0x8, v1;
	v36 =	vld.idx.msk [tilespmem:v10+s15+$0x0], $0xffff  }
0x176: {  	v38 =	vld.idx.msk [tilespmem:v33+s14+$0x0], $0xffff;
	v2 =	vadd.f32 v3, v2;
	v3 =	vmul.f32 v32, v11  }
0x177: {  	v40 =	vor.u32 $0x9, v1;
	v39 =	vld.idx.msk [tilespmem:v33+s15+$0x0], $0xffff  }
0x178: {  	v41 =	vld.idx.msk [tilespmem:v35+s14+$0x0], $0xffff;
	v2 =	vadd.f32 v3, v2;
	v3 =	vmul.f32 v34, v12  }
0x179: {  	v43 =	vor.u32 $0xA, v1;
	v42 =	vld.idx.msk [tilespmem:v35+s15+$0x0], $0xffff  }
0x17a: {  	v44 =	vld.idx.msk [tilespmem:v37+s14+$0x0], $0xffff;
	v2 =	vadd.f32 v3, v2;
	v3 =	vmul.f32 v36, v13  }
0x17b: {  	v46 =	vor.u32 $0xB, v1;
	v45 =	vld.idx.msk [tilespmem:v37+s15+$0x0], $0xffff  }
0x17c: {  	v47 =	vld.idx.msk [tilespmem:v40+s14+$0x0], $0xffff;
	v2 =	vadd.f32 v3, v2;
	v3 =	vmul.f32 v39, v38  }
0x17d: {  	v49 =	vor.u32 $0xC, v1;
	v48 =	vld.idx.msk [tilespmem:v40+s15+$0x0], $0xffff  }
0x17e: {  	v50 =	vld.idx.msk [tilespmem:v43+s14+$0x0], $0xffff;
	v2 =	vadd.f32 v3, v2;
	v3 =	vmul.f32 v42, v41  }
0x17f: {  	v52 =	vor.u32 $0xD, v1;
	v51 =	vld.idx.msk [tilespmem:v43+s15+$0x0], $0xffff  }
0x180: {  	v53 =	vld.idx.msk [tilespmem:v46+s14+$0x0], $0xffff;
	v2 =	vadd.f32 v3, v2;
	v3 =	vmul.f32 v45, v44  }
0x181: {  	v55 =	vor.u32 $0xE, v1;
	v54 =	vld.idx.msk [tilespmem:v46+s15+$0x0], $0xffff  }
0x182: {  	v56 =	vld.idx.msk [tilespmem:v49+s14+$0x0], $0xffff;
	v2 =	vadd.f32 v3, v2;
	v3 =	vmul.f32 v48, v47  }
0x183: {  	v58 =	vor.u32 $0xF, v1;
	v57 =	vld.idx.msk [tilespmem:v49+s15+$0x0], $0xffff  }
0x184: {  	v59 =	vld.idx.msk [tilespmem:v52+s14+$0x0], $0xffff;
	v2 =	vadd.f32 v3, v2;
	v3 =	vmul.f32 v51, v50  }
0x185: {  	v61 =	vor.u32 $0x10, v1;
	v60 =	vld.idx.msk [tilespmem:v52+s15+$0x0], $0xffff  }
0x186: {  	v62 =	vld.idx.msk [tilespmem:v55+s14+$0x0], $0xffff;
	v2 =	vadd.f32 v3, v2;
	v3 =	vmul.f32 v54, v53  }
0x187: {  	v16 =	vor.u32 $0x11, v1;
	v63 =	vld.idx.msk [tilespmem:v55+s15+$0x0], $0xffff  }
0x188: {  	v17 =	vld.idx.msk [tilespmem:v58+s14+$0x0], $0xffff;
	v2 =	vadd.f32 v3, v2;
	v3 =	vmul.f32 v57, v56  }
0x189: {  	v19 =	vor.u32 $0x12, v1;
	v18 =	vld.idx.msk [tilespmem:v58+s15+$0x0], $0xffff  }
0x18a: {  	v20 =	vld.idx.msk [tilespmem:v61+s14+$0x0], $0xffff;
	v2 =	vadd.f32 v3, v2;
	v3 =	vmul.f32 v60, v59  }
0x18b: {  	v22 =	vor.u32 $0x13, v1;
	v21 =	vld.idx.msk [tilespmem:v61+s15+$0x0], $0xffff  }
0x18c: {  	v23 =	vld.idx.msk [tilespmem:v16+s14+$0x0], $0xffff;
	v2 =	vadd.f32 v3, v2;
	v3 =	vmul.f32 v63, v62  }
0x18d: {  	v25 =	vor.u32 $0x14, v1;
	v24 =	vld.idx.msk [tilespmem:v16+s15+$0x0], $0xffff  }
0x18e: {  	v26 =	vld.idx.msk [tilespmem:v19+s14+$0x0], $0xffff;
	v2 =	vadd.f32 v3, v2;
	v3 =	vmul.f32 v18, v17  }
0x18f: {  	v28 =	vor.u32 $0x15, v1;
	v27 =	vld.idx.msk [tilespmem:v19+s15+$0x0], $0xffff  }
0x190: {  	v29 =	vld.idx.msk [tilespmem:v22+s14+$0x0], $0xffff;
	v2 =	vadd.f32 v3, v2;
	v3 =	vmul.f32 v21, v20  }
0x191: {  	v31 =	vor.u32 $0x16, v1;
	v30 =	vld.idx.msk [tilespmem:v22+s15+$0x0], $0xffff  }
0x192: {  	v33 =	vld.idx.msk [tilespmem:v25+s15+$0x0], $0xffff;
	v2 =	vadd.f32 v3, v2;
	v3 =	vmul.f32 v24, v23  }
0x193: {  	v32 =	vld.idx.msk [tilespmem:v25+s14+$0x0], $0xffff;
	v34 =	vor.u32 $0x17, v1  }
0x194: {  	v35 =	vld.idx.msk [tilespmem:v28+s14+$0x0], $0xffff;
	v2 =	vadd.f32 v3, v2;
	v3 =	vmul.f32 v27, v26  }
0x195: {  	v37 =	vor.u32 $0x18, v1;
	v36 =	vld.idx.msk [tilespmem:v28+s15+$0x0], $0xffff  }
0x196: {  	v38 =	vld.idx.msk [tilespmem:v31+s14+$0x0], $0xffff;
	v2 =	vadd.f32 v3, v2;
	v3 =	vmul.f32 v30, v29  }
0x197: {  	v40 =	vor.u32 $0x19, v1;
	v39 =	vld.idx.msk [tilespmem:v31+s15+$0x0], $0xffff  }
0x198: {  	v41 =	vld.idx.msk [tilespmem:v34+s14+$0x0], $0xffff;
	v2 =	vadd.f32 v3, v2;
	v3 =	vmul.f32 v33, v32  }
0x199: {  	v43 =	vor.u32 $0x1A, v1;
	v42 =	vld.idx.msk [tilespmem:v34+s15+$0x0], $0xffff  }
0x19a: {  	v44 =	vld.idx.msk [tilespmem:v37+s14+$0x0], $0xffff;
	v2 =	vadd.f32 v3, v2;
	v3 =	vmul.f32 v36, v35  }
0x19b: {  	v46 =	vor.u32 $0x1B, v1;
	v45 =	vld.idx.msk [tilespmem:v37+s15+$0x0], $0xffff  }
0x19c: {  	v47 =	vld.idx.msk [tilespmem:v40+s14+$0x0], $0xffff;
	v2 =	vadd.f32 v3, v2;
	v3 =	vmul.f32 v39, v38  }
0x19d: {  	v49 =	vor.u32 $0x1C, v1;
	v48 =	vld.idx.msk [tilespmem:v40+s15+$0x0], $0xffff  }
0x19e: {  	v50 =	vld.idx.msk [tilespmem:v43+s14+$0x0], $0xffff;
	v2 =	vadd.f32 v3, v2;
	v3 =	vmul.f32 v42, v41  }
0x19f: {  	v52 =	vor.u32 $0x1D, v1;
	v51 =	vld.idx.msk [tilespmem:v43+s15+$0x0], $0xffff  }
0x1a0: {  	v53 =	vld.idx.msk [tilespmem:v46+s14+$0x0], $0xffff;
	v2 =	vadd.f32 v3, v2;
	v3 =	vmul.f32 v45, v44  }
0x1a1: {  	v55 =	vor.u32 $0x1E, v1;
	v54 =	vld.idx.msk [tilespmem:v46+s15+$0x0], $0xffff  }
0x1a2: {  	v56 =	vld.idx.msk [tilespmem:v49+s14+$0x0], $0xffff;
	v2 =	vadd.f32 v3, v2;
	v3 =	vmul.f32 v48, v47  }
0x1a3: {  	v1 =	vor.u32 $0x1F, v1;
	v57 =	vld.idx.msk [tilespmem:v49+s15+$0x0], $0xffff  }
0x1a4: {  	v58 =	vld.idx.msk [tilespmem:v52+s14+$0x0], $0xffff;
	v2 =	vadd.f32 v3, v2;
	v3 =	vmul.f32 v51, v50  }
0x1a5: {  	v59 =	vld.idx.msk [tilespmem:v52+s15+$0x0], $0xffff  }
0x1a6: {  	v61 =	vld.idx.msk [tilespmem:v55+s15+$0x0], $0xffff;
	v2 =	vadd.f32 v3, v2;
	v3 =	vmul.f32 v54, v53  }
0x1a7: {  	v60 =	vld.idx.msk [tilespmem:v55+s14+$0x0], $0xffff  }
0x1a8: {  	v62 =	vld.idx.msk [tilespmem:v1+s14+$0x0], $0xffff;
	v2 =	vadd.f32 v3, v2;
	v3 =	vmul.f32 v57, v56  }
0x1a9: {  	v1 =	vld.idx.msk [tilespmem:v1+s15+$0x0], $0xffff  }
0x1aa: {  	v2 =	vadd.f32 v3, v2;
	v3 =	vmul.f32 v59, v58;
	_ =	sdelay $0x1  }
0x1ab: {  	s20 =	sadd.s32 $0x10, s20;
	v2 =	vadd.f32 v3, v2;
	v3 =	vmul.f32 v61, v60  }
0x1ac: {  	v63 =	vld [tilespmem:s20+$0x0]  }
0x1ad: {  	s22 =	sadd.s32 $0x10, s22;
	v1 =	vmul.f32 v1, v62;
	v2 =	vadd.f32 v3, v2  }
0x1ae: {  	v3 =	vld [tilespmem:s22+$0x0]  }
0x1af: {  	v1 =	vadd.f32 v1, v2;
	_ =	sdelay $0x1  }
0x1b0: {  	v1 =	vadd.f32 v1, v63;
	_ =	sdelay $0x1  }
0x1b1: {  	v1 =	vadd.f32 v1, v3;
	_ =	sdelay $0x1  }
0x1b2: {  	v1 =	vsub.f32 $0.0e+00, v1;
	_ =	sdelay $0x1  }
0x1b3: {  	v1 =	vmul.f32 $1.442695020e+00, v1;
	_ =	sdelay $0x1  }
0x1b4: {  	(erf) = vpow2.f32 v1;
	_ =	sdelay $0x8  }
0x1b5: {  	v1 =	vpop (erf)  }
0x1b6: {  	v1 =	vadd.f32 $1.000000000e+00, v1;
	_ =	sdelay $0x1  }
0x1b7: {  	(erf) = vrcp.f32 v1;
	_ =	sdelay $0x7  }
0x1b8: {  	s19 =	sadd.s32 $0x1, s19  }
0x1b9: {  	s25 =	sadd.s32 $0x10, s24;
	p0 =	sne.s32 s19, s10;
	v1 =	vpop (erf)  }
.Ltmp1:
0x1ba: {  	[tilespmem:s25+$0x0] =	vst v1;
	(pc) =	sbr.rel @p0 .LBB2_1-.Ltmp1, $4  }
0x1bb: {  	[hbm4b:s9+s3] =	stream.linear.scatter [tilespmem:s18], [sflag:$0x2], $0x200, $0x38;
	[tilespmem:$0x8A00] =	vst v63  }
0x1bc: {  	_ =	swait.ge [sflag:s11], $0x200  }
0x1bd: {  	[sflag:s11] =	ssyncset.done $0x0  }
0x1be: {  	[sflag:s11] =	ssyncadd.s32 $0xFFFFFE00  }
0x1bf: {  	_ =	sfence.sel $0x180000  }
0x1c0: {  	[bflag:$0x0] =	sbarrier.arrive $0xFFFF  }
0x1c1: {  	_ =	strace $0x90000047  }
0x1c2: {  	s0 =	stileid.u32;
	[bflag:$0x2] =	sbarrier.arrive $0xFFFF  }
0x1c3: {  	p0 =	sne.s32 s0, $0x0;
	s0 =	rddreg [dreg:$0x6]  }
0x1c4: {  	s0 =	sadd.s32 @!p0 $0x100000, s0  }
0x1c5: {  	[sflag:s0] =	ssyncadd.tile.s32 @!p0 $0x1;
	_ =	shalt  }
.Lfunc_end2:
_tile_overlayer_lowered:
.L_overlay_start_2:
0x1c6: {  	(tag) =	ssettag $0x2  }
0x1c7: {  	s0 =	rddreg [dreg:$0x0];
	s2 =	stileid.u32  }
0x1c8: {  	s1 =	rddreg [dreg:$0x1];
	p0 =	sne.s32 s2, $0x0  }
0x1c9: {  	s3 =	rddreg [dreg:$0x2];
	[bflag:$0x3] =	sbarrier.arrive $0xFFFF;
	s2 =	simm.s32 @!p0 $0x1C02  }
0x1ca: {  	[timem:s3], [sflag:s2] =	dma.local @!p0 [hbm:s0], s1  }
0x1cb: {  	s0 =	simm.s32 @!p0 $0x2  }
0x1cc: {  	_ =	swait.ge @!p0 [sflag:s0], s1  }
0x1cd: {  	s1 =	ssub.s32 @!p0 $0x0, s1;
	[sflag:s0] =	ssyncset.done @!p0 $0x0  }
0x1ce: {  	[sflag:s0] =	ssyncadd.s32 @!p0 s1  }
0x1cf: {  	[bflag:$0x3] =	sbarrier.arrive $0xFFFF  }
0x1d0: {  	_ =	shalt  }

</sc_bundles>
